<compile_context>
chip_gen: v7x
topology: tpu7x:2x2x1
jax: 0.10.2.dev20260603
libtpu: 0.0.44.dev20260713+nightly
codegen_flags: <defaults>
</compile_context>

<pallas_src>
import jax
import jax.numpy as jnp
import numpy as np
from jax import lax
from jax.experimental import pallas as pl
from jax.experimental.pallas import tpu as pltpu
from jax.experimental.pallas import tpu_sc as plsc

B, S, D = 4, 4096, 1024
ROWS = B * S
NUM_WORKERS = 32
CHUNK = 32

SC_ROWS = 4096
SC_IN_ROWS = SC_ROWS + (8 if SC_ROWS % S else 0)
TC_ROWS = ROWS - SC_ROWS
SLAB = SC_ROWS // NUM_WORKERS
NCHUNK = SLAB // CHUNK
CGRP = D // 16

TC_BS = 512
TC_NBLK = TC_ROWS // TC_BS

_T_CHANGE = np.uint32(838860)
_T_MINUS = np.uint32(419430)


def _threefry_bits(p):
    ks0 = np.uint32(0)
    ks1 = np.uint32(42)
    ks2 = np.uint32(0 ^ 42 ^ 0x1BD11BDA)

    def rotl(x, r):
        return lax.shift_left(x, np.uint32(r)) | lax.shift_right_logical(
            x, np.uint32(32 - r))

    x0 = jnp.zeros_like(p)
    x1 = p + ks1
    rot_a = (13, 15, 26, 6)
    rot_b = (17, 29, 16, 24)
    sched = ((ks1, ks2, 1), (ks2, ks0, 2), (ks0, ks1, 3), (ks1, ks2, 4),
             (ks2, ks0, 5))
    for g, (a0, a1, c) in enumerate(sched):
        for r in (rot_a if g % 2 == 0 else rot_b):
            x0 = x0 + x1
            x1 = x0 ^ rotl(x1, r)
        x0 = x0 + a0
        x1 = x1 + np.uint32(a1 + np.uint32(c))
    return x0 ^ x1



def _sc_body(x_hbm, out_hbm, in_buf, out_buf):
    nc = 2
    wid = lax.axis_index("s") * nc + lax.axis_index("c")
    slab0 = wid * SLAB
    lane = lax.iota(jnp.uint32, 16)

    def chunk_body(chunk, _):
        g0 = slab0 + chunk * CHUNK
        is_first = lax.rem(g0, S) == 0
        is_last = lax.rem(g0 + CHUNK, S) == 0
        interior = jnp.logical_and(jnp.logical_not(is_first),
                                   jnp.logical_not(is_last))

        @pl.when(is_first)
        def _():
            pltpu.sync_copy(x_hbm.at[pl.ds(g0, CHUNK + 1)],
                            in_buf.at[pl.ds(1, CHUNK + 1)])
            pltpu.sync_copy(x_hbm.at[pl.ds(g0, 1)], in_buf.at[pl.ds(0, 1)])

        @pl.when(is_last)
        def _():
            pltpu.sync_copy(x_hbm.at[pl.ds(g0 - 1, CHUNK + 1)],
                            in_buf.at[pl.ds(0, CHUNK + 1)])
            pltpu.sync_copy(x_hbm.at[pl.ds(g0 + CHUNK - 1, 1)],
                            in_buf.at[pl.ds(CHUNK + 1, 1)])

        @pl.when(interior)
        def _():
            pltpu.sync_copy(x_hbm.at[pl.ds(g0 - 1, CHUNK + 2)],
                            in_buf.at[pl.ds(0, CHUNK + 2)])

        p_chunk0 = lax.convert_element_type(g0 * D, jnp.uint32)

        @plsc.parallel_loop(0, CHUNK * CGRP, unroll=2)
        def vec_body(i):
            s_local = lax.shift_right_logical(i, 6)
            c16 = lax.shift_left(lax.bitwise_and(i, 63), 4)
            p = (p_chunk0 + lax.convert_element_type(s_local * D + c16,
                                                     jnp.uint32)) + lane
            m = lax.shift_right_logical(_threefry_bits(p), np.uint32(9))
            v_dn = in_buf[s_local, pl.ds(c16, 16)]
            v_mid = in_buf[s_local + 1, pl.ds(c16, 16)]
            v_up = in_buf[s_local + 2, pl.ds(c16, 16)]
            moved = jnp.where(m <= _T_MINUS, v_dn, v_up)
            out_buf[s_local, pl.ds(c16, 16)] = jnp.where(
                m <= _T_CHANGE, moved, v_mid)
        pltpu.sync_copy(out_buf, out_hbm.at[pl.ds(g0, CHUNK)])
        return _

    lax.fori_loop(0, NCHUNK, chunk_body, None)


def _sc_call(x2d):
    mesh = plsc.VectorSubcoreMesh(core_axis_name="c", subcore_axis_name="s")
    return pl.kernel(
        _sc_body,
        mesh=mesh,
        out_type=jax.ShapeDtypeStruct((SC_ROWS, D), jnp.float32),
        compiler_params=pltpu.CompilerParams(use_tc_tiling_on_sc=False),
        scratch_types=[
            pltpu.VMEM((CHUNK + 2, D), jnp.float32),
            pltpu.VMEM((CHUNK, D), jnp.float32),
        ],
    )(x2d)



def _tc_body(prev_ref, mid_ref, next_ref, o_ref):
    i = pl.program_id(0)
    row0 = SC_ROWS + i * TC_BS
    mid = mid_ref[...]
    v_dn = jnp.concatenate([prev_ref[7:8, :], mid[:TC_BS - 1]], axis=0)
    v_up = jnp.concatenate([mid[1:], next_ref[0:1, :]], axis=0)
    rows = row0 + lax.broadcasted_iota(jnp.int32, (TC_BS, D), 0)
    p = (rows * D + lax.broadcasted_iota(jnp.int32, (TC_BS, D), 1))
    m = lax.shift_right_logical(
        _threefry_bits(lax.convert_element_type(p, jnp.uint32)), np.uint32(9))
    s = lax.rem(rows, S)
    take_dn = jnp.logical_and(m <= _T_MINUS, s != 0)
    take_up = jnp.logical_and(
        jnp.logical_and(m <= _T_CHANGE, m > _T_MINUS), s != S - 1)
    o_ref[...] = jnp.where(take_dn, v_dn, jnp.where(take_up, v_up, mid))


def _tc_call(x2d):
    blk0 = SC_ROWS // TC_BS
    hblk0 = SC_ROWS // 8
    nh = ROWS // 8
    return pl.pallas_call(
        _tc_body,
        grid=(TC_NBLK,),
        in_specs=[
            pl.BlockSpec((8, D),
                         lambda i: (jnp.maximum(hblk0 + i * (TC_BS // 8) - 1,
                                                0), 0)),
            pl.BlockSpec((TC_BS, D), lambda i: (blk0 + i, 0)),
            pl.BlockSpec((8, D),
                         lambda i: (jnp.minimum(
                             hblk0 + (i + 1) * (TC_BS // 8), nh - 1), 0)),
        ],
        out_specs=pl.BlockSpec((TC_BS, D), lambda i: (blk0 + i, 0)),
        out_shape=jax.ShapeDtypeStruct((ROWS, D), jnp.float32),
    )(x2d, x2d, x2d)


@jax.jit
def kernel(x):
    x2d = x.reshape(ROWS, D)
    out_sc = _sc_call(x2d[:SC_IN_ROWS])
    out_full = _tc_call(x2d)
    return lax.dynamic_update_slice(out_full, out_sc, (0, 0)).reshape(B, S, D)

# --- scband reference (transcript-rebuilt; emitter-appended) ---
"""Pipeline reference for scband-jitter-layer-56410100466047 (READ-ONLY COPY).

The authoritative reference and input builder live on the scoring server;
editing this copy changes nothing except your own understanding.
"""

import jax, jax.numpy as jnp
import numpy as np

P = 0.1

def setup_inputs(seed: int = 0) -> dict:
    key = jax.random.key(seed)
    x = jax.random.normal(key, (4, 4096, 1024), dtype=jnp.float32)
    return {"x": x}

def reference(x):
    # JitterLayer.forward in training mode with p=P.
    # index_tensor = arange over the sequence dim, broadcast to x's shape
    B, S, D = x.shape
    index_tensor = jnp.broadcast_to(jnp.arange(S, dtype=jnp.int32)[None, :, None], x.shape)
    # change_prob = torch.rand_like(...) -> uniform [0,1)
    change_prob = jax.random.uniform(jax.random.key(42), x.shape, dtype=jnp.float32)
    index_change = (change_prob <= P).astype(jnp.int32)
    # with prob p/2 shift -1, with prob p/2 shift +1, else 0
    index_change = jnp.where(change_prob > P / 2.0, index_change, -index_change)
    idx = index_tensor + index_change
    idx = jnp.clip(idx, 0, S - 1)
    # torch.gather(x, -2, idx) -> take_along_axis on the sequence axis
    out = jnp.take_along_axis(x, idx, axis=-2)
    # .squeeze() is a no-op for shape (4, 4096, 1024)
    return out

if __name__ == "__main__":
    import jax
    _d = setup_inputs()
    print(jax.jit(kernel)(*tuple(_d.values())))

</pallas_src>

<mosaic_0001>
#map = affine_map<(d0, d1) -> (0, 0)>
module attributes {stable_mosaic.version = 14 : i64} {
  func.func @_sc_body(%arg0: i32, %arg1: i32, %arg2: memref<4096x1024xf32, #tpu.memory_space<hbm>>, %arg3: memref<4096x1024xf32, #tpu.memory_space<hbm>>, %arg4: memref<34x1024xf32, #tpu.memory_space<vmem>>, %arg5: memref<32x1024xf32, #tpu.memory_space<vmem>>) attributes {dimension_semantics = [#tpu.dimension_semantics<core_parallel>, #tpu.dimension_semantics<subcore_parallel>], iteration_bounds = array<i64: 2, 16>, scalar_prefetch = 0 : i64, scratch_operands = 2 : i64, tpu.core_type = #tpu.core_type<sc_vector_subcore>, window_params = [{transform_indices = #map}, {transform_indices = #map}]} {
    %mul3A = arith.constant 2 : i32
    %mul3A_0 = arith.muli %arg1, %mul3A : i32
    %add3A = arith.addi %mul3A_0, %arg0 : i32
    %mul3A_1 = arith.constant 128 : i32
    %mul3A_2 = arith.muli %add3A, %mul3A_1 : i32
    %iota3A = tpu.iota {dimensions = array<i32: 0>} : vector<16xi32>
    %scan3A = arith.constant 0 : i32
    %scan3A_3 = arith.constant 4 : i32
    %scan3A_4 = arith.addi %scan3A, %scan3A_3 : i32
    %scan3A_5 = arith.constant 1 : i32
    scf.for %scan3A_7 = %scan3A to %scan3A_4 step %scan3A_5  : i32 {
      %mul3A_8 = arith.constant 32 : i32
      %mul3A_9 = arith.muli %scan3A_7, %mul3A_8 : i32
      %add3A_10 = arith.addi %mul3A_2, %mul3A_9 : i32
      %rem3A = arith.constant 4096 : i32
      %rem3A_11 = arith.remsi %add3A_10, %rem3A : i32
      %eq3A = arith.constant 0 : i32
      %eq3A_12 = arith.cmpi eq, %rem3A_11, %eq3A : i32
      %add3A_13 = arith.constant 32 : i32
      %add3A_14 = arith.addi %add3A_10, %add3A_13 : i32
      %rem3A_15 = arith.constant 4096 : i32
      %rem3A_16 = arith.remsi %add3A_14, %rem3A_15 : i32
      %eq3A_17 = arith.constant 0 : i32
      %eq3A_18 = arith.cmpi eq, %rem3A_16, %eq3A_17 : i32
      %not3A = arith.constant true
      %not3A_19 = arith.xori %eq3A_12, %not3A : i1
      %not3A_20 = arith.constant true
      %not3A_21 = arith.xori %eq3A_18, %not3A_20 : i1
      %and3A = arith.andi %not3A_19, %not3A_21 : i1
      %convert_element_type3A = arith.extui %eq3A_12 : i1 to i32
      %cond3A = arith.constant 0 : i32
      %cond3A_22 = arith.cmpi ne, %convert_element_type3A, %cond3A : i32
      scf.if %cond3A_22 {
        "tpu.region"() ({
          %run_scoped3A = tpu.sem_alloc : memref<!tpu.dma_semaphore, #tpu.memory_space<semaphore_mem>>
          %dma_start3A = arith.constant 1 : i32
          %dma_start3A_33 = arith.constant 0 : i32
          %dma_start3A_34 = tpu.memref_slice %arg4[%dma_start3A, %dma_start3A_33] : memref<34x1024xf32, #tpu.memory_space<vmem>> -> memref<33x1024xf32, #tpu.memory_space<vmem>>
          %dma_start3A_35 = arith.constant 0 : i32
          %dma_start3A_36 = tpu.memref_slice %arg2[%add3A_10, %dma_start3A_35] : memref<4096x1024xf32, #tpu.memory_space<hbm>> -> memref<33x1024xf32, #tpu.memory_space<hbm>>
          %dma_start3A_37 = arith.constant 1 : i32
          %dma_start3A_38 = arith.constant 0 : i32
          %dma_start3A_39 = tpu.memref_slice %arg4[%dma_start3A_37, %dma_start3A_38] : memref<34x1024xf32, #tpu.memory_space<vmem>> -> memref<33x1024xf32, #tpu.memory_space<vmem>>
          %dma_start3A_40 = arith.constant 0 : i32
          %dma_start3A_41 = tpu.memref_slice %arg2[%add3A_10, %dma_start3A_40] : memref<4096x1024xf32, #tpu.memory_space<hbm>> -> memref<33x1024xf32, #tpu.memory_space<hbm>>
          tpu.enqueue_dma source(%dma_start3A_41 : memref<33x1024xf32, #tpu.memory_space<hbm>>) target(%dma_start3A_39 : memref<33x1024xf32, #tpu.memory_space<vmem>>) target_semaphore(%run_scoped3A : memref<!tpu.dma_semaphore, #tpu.memory_space<semaphore_mem>>)
          %dma_wait3A = arith.constant 1 : i32
          %dma_wait3A_42 = arith.constant 0 : i32
          %dma_wait3A_43 = tpu.memref_slice %arg4[%dma_wait3A, %dma_wait3A_42] : memref<34x1024xf32, #tpu.memory_space<vmem>> -> memref<33x1024xf32, #tpu.memory_space<vmem>>
          %dma_wait3A_44 = arith.constant 0 : i32
          %dma_wait3A_45 = tpu.memref_slice %arg2[%add3A_10, %dma_wait3A_44] : memref<4096x1024xf32, #tpu.memory_space<hbm>> -> memref<33x1024xf32, #tpu.memory_space<hbm>>
          %dma_wait3A_46 = arith.constant 1 : i32
          %dma_wait3A_47 = arith.constant 0 : i32
          %dma_wait3A_48 = tpu.memref_slice %arg4[%dma_wait3A_46, %dma_wait3A_47] : memref<34x1024xf32, #tpu.memory_space<vmem>> -> memref<33x1024xf32, #tpu.memory_space<vmem>>
          %dma_wait3A_49 = arith.constant 0 : i32
          %dma_wait3A_50 = tpu.memref_slice %arg2[%add3A_10, %dma_wait3A_49] : memref<4096x1024xf32, #tpu.memory_space<hbm>> -> memref<33x1024xf32, #tpu.memory_space<hbm>>
          tpu.wait_dma2 semaphore(%run_scoped3A : memref<!tpu.dma_semaphore, #tpu.memory_space<semaphore_mem>>) src(%dma_wait3A_50 : memref<33x1024xf32, #tpu.memory_space<hbm>>) dst(%dma_wait3A_48 : memref<33x1024xf32, #tpu.memory_space<vmem>>)
          tpu.yield
        }) : () -> ()
        "tpu.region"() ({
          %run_scoped3A = tpu.sem_alloc : memref<!tpu.dma_semaphore, #tpu.memory_space<semaphore_mem>>
          %dma_start3A = arith.constant 0 : i32
          %dma_start3A_33 = arith.constant 0 : i32
          %dma_start3A_34 = tpu.memref_slice %arg4[%dma_start3A, %dma_start3A_33] : memref<34x1024xf32, #tpu.memory_space<vmem>> -> memref<1x1024xf32, #tpu.memory_space<vmem>>
          %dma_start3A_35 = arith.constant 0 : i32
          %dma_start3A_36 = tpu.memref_slice %arg2[%add3A_10, %dma_start3A_35] : memref<4096x1024xf32, #tpu.memory_space<hbm>> -> memref<1x1024xf32, #tpu.memory_space<hbm>>
          %dma_start3A_37 = arith.constant 0 : i32
          %dma_start3A_38 = arith.constant 0 : i32
          %dma_start3A_39 = tpu.memref_slice %arg4[%dma_start3A_37, %dma_start3A_38] : memref<34x1024xf32, #tpu.memory_space<vmem>> -> memref<1x1024xf32, #tpu.memory_space<vmem>>
          %dma_start3A_40 = arith.constant 0 : i32
          %dma_start3A_41 = tpu.memref_slice %arg2[%add3A_10, %dma_start3A_40] : memref<4096x1024xf32, #tpu.memory_space<hbm>> -> memref<1x1024xf32, #tpu.memory_space<hbm>>
          tpu.enqueue_dma source(%dma_start3A_41 : memref<1x1024xf32, #tpu.memory_space<hbm>>) target(%dma_start3A_39 : memref<1x1024xf32, #tpu.memory_space<vmem>>) target_semaphore(%run_scoped3A : memref<!tpu.dma_semaphore, #tpu.memory_space<semaphore_mem>>)
          %dma_wait3A = arith.constant 0 : i32
          %dma_wait3A_42 = arith.constant 0 : i32
          %dma_wait3A_43 = tpu.memref_slice %arg4[%dma_wait3A, %dma_wait3A_42] : memref<34x1024xf32, #tpu.memory_space<vmem>> -> memref<1x1024xf32, #tpu.memory_space<vmem>>
          %dma_wait3A_44 = arith.constant 0 : i32
          %dma_wait3A_45 = tpu.memref_slice %arg2[%add3A_10, %dma_wait3A_44] : memref<4096x1024xf32, #tpu.memory_space<hbm>> -> memref<1x1024xf32, #tpu.memory_space<hbm>>
          %dma_wait3A_46 = arith.constant 0 : i32
          %dma_wait3A_47 = arith.constant 0 : i32
          %dma_wait3A_48 = tpu.memref_slice %arg4[%dma_wait3A_46, %dma_wait3A_47] : memref<34x1024xf32, #tpu.memory_space<vmem>> -> memref<1x1024xf32, #tpu.memory_space<vmem>>
          %dma_wait3A_49 = arith.constant 0 : i32
          %dma_wait3A_50 = tpu.memref_slice %arg2[%add3A_10, %dma_wait3A_49] : memref<4096x1024xf32, #tpu.memory_space<hbm>> -> memref<1x1024xf32, #tpu.memory_space<hbm>>
          tpu.wait_dma2 semaphore(%run_scoped3A : memref<!tpu.dma_semaphore, #tpu.memory_space<semaphore_mem>>) src(%dma_wait3A_50 : memref<1x1024xf32, #tpu.memory_space<hbm>>) dst(%dma_wait3A_48 : memref<1x1024xf32, #tpu.memory_space<vmem>>)
          tpu.yield
        }) : () -> ()
      } else {
      }
      %convert_element_type3A_23 = arith.extui %eq3A_18 : i1 to i32
      %cond3A_24 = arith.constant 0 : i32
      %cond3A_25 = arith.cmpi ne, %convert_element_type3A_23, %cond3A_24 : i32
      scf.if %cond3A_25 {
        %sub3A = arith.constant 1 : i32
        %sub3A_33 = arith.subi %add3A_10, %sub3A : i32
        "tpu.region"() ({
          %run_scoped3A = tpu.sem_alloc : memref<!tpu.dma_semaphore, #tpu.memory_space<semaphore_mem>>
          %dma_start3A = arith.constant 0 : i32
          %dma_start3A_38 = arith.constant 0 : i32
          %dma_start3A_39 = tpu.memref_slice %arg4[%dma_start3A, %dma_start3A_38] : memref<34x1024xf32, #tpu.memory_space<vmem>> -> memref<33x1024xf32, #tpu.memory_space<vmem>>
          %dma_start3A_40 = arith.constant 0 : i32
          %dma_start3A_41 = tpu.memref_slice %arg2[%sub3A_33, %dma_start3A_40] : memref<4096x1024xf32, #tpu.memory_space<hbm>> -> memref<33x1024xf32, #tpu.memory_space<hbm>>
          %dma_start3A_42 = arith.constant 0 : i32
          %dma_start3A_43 = arith.constant 0 : i32
          %dma_start3A_44 = tpu.memref_slice %arg4[%dma_start3A_42, %dma_start3A_43] : memref<34x1024xf32, #tpu.memory_space<vmem>> -> memref<33x1024xf32, #tpu.memory_space<vmem>>
          %dma_start3A_45 = arith.constant 0 : i32
          %dma_start3A_46 = tpu.memref_slice %arg2[%sub3A_33, %dma_start3A_45] : memref<4096x1024xf32, #tpu.memory_space<hbm>> -> memref<33x1024xf32, #tpu.memory_space<hbm>>
          tpu.enqueue_dma source(%dma_start3A_46 : memref<33x1024xf32, #tpu.memory_space<hbm>>) target(%dma_start3A_44 : memref<33x1024xf32, #tpu.memory_space<vmem>>) target_semaphore(%run_scoped3A : memref<!tpu.dma_semaphore, #tpu.memory_space<semaphore_mem>>)
          %dma_wait3A = arith.constant 0 : i32
          %dma_wait3A_47 = arith.constant 0 : i32
          %dma_wait3A_48 = tpu.memref_slice %arg4[%dma_wait3A, %dma_wait3A_47] : memref<34x1024xf32, #tpu.memory_space<vmem>> -> memref<33x1024xf32, #tpu.memory_space<vmem>>
          %dma_wait3A_49 = arith.constant 0 : i32
          %dma_wait3A_50 = tpu.memref_slice %arg2[%sub3A_33, %dma_wait3A_49] : memref<4096x1024xf32, #tpu.memory_space<hbm>> -> memref<33x1024xf32, #tpu.memory_space<hbm>>
          %dma_wait3A_51 = arith.constant 0 : i32
          %dma_wait3A_52 = arith.constant 0 : i32
          %dma_wait3A_53 = tpu.memref_slice %arg4[%dma_wait3A_51, %dma_wait3A_52] : memref<34x1024xf32, #tpu.memory_space<vmem>> -> memref<33x1024xf32, #tpu.memory_space<vmem>>
          %dma_wait3A_54 = arith.constant 0 : i32
          %dma_wait3A_55 = tpu.memref_slice %arg2[%sub3A_33, %dma_wait3A_54] : memref<4096x1024xf32, #tpu.memory_space<hbm>> -> memref<33x1024xf32, #tpu.memory_space<hbm>>
          tpu.wait_dma2 semaphore(%run_scoped3A : memref<!tpu.dma_semaphore, #tpu.memory_space<semaphore_mem>>) src(%dma_wait3A_55 : memref<33x1024xf32, #tpu.memory_space<hbm>>) dst(%dma_wait3A_53 : memref<33x1024xf32, #tpu.memory_space<vmem>>)
          tpu.yield
        }) : () -> ()
        %add3A_34 = arith.constant 32 : i32
        %add3A_35 = arith.addi %add3A_10, %add3A_34 : i32
        %sub3A_36 = arith.constant 1 : i32
        %sub3A_37 = arith.subi %add3A_35, %sub3A_36 : i32
        "tpu.region"() ({
          %run_scoped3A = tpu.sem_alloc : memref<!tpu.dma_semaphore, #tpu.memory_space<semaphore_mem>>
          %dma_start3A = arith.constant 33 : i32
          %dma_start3A_38 = arith.constant 0 : i32
          %dma_start3A_39 = tpu.memref_slice %arg4[%dma_start3A, %dma_start3A_38] : memref<34x1024xf32, #tpu.memory_space<vmem>> -> memref<1x1024xf32, #tpu.memory_space<vmem>>
          %dma_start3A_40 = arith.constant 0 : i32
          %dma_start3A_41 = tpu.memref_slice %arg2[%sub3A_37, %dma_start3A_40] : memref<4096x1024xf32, #tpu.memory_space<hbm>> -> memref<1x1024xf32, #tpu.memory_space<hbm>>
          %dma_start3A_42 = arith.constant 33 : i32
          %dma_start3A_43 = arith.constant 0 : i32
          %dma_start3A_44 = tpu.memref_slice %arg4[%dma_start3A_42, %dma_start3A_43] : memref<34x1024xf32, #tpu.memory_space<vmem>> -> memref<1x1024xf32, #tpu.memory_space<vmem>>
          %dma_start3A_45 = arith.constant 0 : i32
          %dma_start3A_46 = tpu.memref_slice %arg2[%sub3A_37, %dma_start3A_45] : memref<4096x1024xf32, #tpu.memory_space<hbm>> -> memref<1x1024xf32, #tpu.memory_space<hbm>>
          tpu.enqueue_dma source(%dma_start3A_46 : memref<1x1024xf32, #tpu.memory_space<hbm>>) target(%dma_start3A_44 : memref<1x1024xf32, #tpu.memory_space<vmem>>) target_semaphore(%run_scoped3A : memref<!tpu.dma_semaphore, #tpu.memory_space<semaphore_mem>>)
          %dma_wait3A = arith.constant 33 : i32
          %dma_wait3A_47 = arith.constant 0 : i32
          %dma_wait3A_48 = tpu.memref_slice %arg4[%dma_wait3A, %dma_wait3A_47] : memref<34x1024xf32, #tpu.memory_space<vmem>> -> memref<1x1024xf32, #tpu.memory_space<vmem>>
          %dma_wait3A_49 = arith.constant 0 : i32
          %dma_wait3A_50 = tpu.memref_slice %arg2[%sub3A_37, %dma_wait3A_49] : memref<4096x1024xf32, #tpu.memory_space<hbm>> -> memref<1x1024xf32, #tpu.memory_space<hbm>>
          %dma_wait3A_51 = arith.constant 33 : i32
          %dma_wait3A_52 = arith.constant 0 : i32
          %dma_wait3A_53 = tpu.memref_slice %arg4[%dma_wait3A_51, %dma_wait3A_52] : memref<34x1024xf32, #tpu.memory_space<vmem>> -> memref<1x1024xf32, #tpu.memory_space<vmem>>
          %dma_wait3A_54 = arith.constant 0 : i32
          %dma_wait3A_55 = tpu.memref_slice %arg2[%sub3A_37, %dma_wait3A_54] : memref<4096x1024xf32, #tpu.memory_space<hbm>> -> memref<1x1024xf32, #tpu.memory_space<hbm>>
          tpu.wait_dma2 semaphore(%run_scoped3A : memref<!tpu.dma_semaphore, #tpu.memory_space<semaphore_mem>>) src(%dma_wait3A_55 : memref<1x1024xf32, #tpu.memory_space<hbm>>) dst(%dma_wait3A_53 : memref<1x1024xf32, #tpu.memory_space<vmem>>)
          tpu.yield
        }) : () -> ()
      } else {
      }
      %convert_element_type3A_26 = arith.extui %and3A : i1 to i32
      %cond3A_27 = arith.constant 0 : i32
      %cond3A_28 = arith.cmpi ne, %convert_element_type3A_26, %cond3A_27 : i32
      scf.if %cond3A_28 {
        %sub3A = arith.constant 1 : i32
        %sub3A_33 = arith.subi %add3A_10, %sub3A : i32
        "tpu.region"() ({
          %run_scoped3A = tpu.sem_alloc : memref<!tpu.dma_semaphore, #tpu.memory_space<semaphore_mem>>
          %dma_start3A = arith.constant 0 : i32
          %dma_start3A_34 = arith.constant 0 : i32
          %dma_start3A_35 = tpu.memref_slice %arg4[%dma_start3A, %dma_start3A_34] : memref<34x1024xf32, #tpu.memory_space<vmem>> -> memref<34x1024xf32, #tpu.memory_space<vmem>>
          %dma_start3A_36 = arith.constant 0 : i32
          %dma_start3A_37 = tpu.memref_slice %arg2[%sub3A_33, %dma_start3A_36] : memref<4096x1024xf32, #tpu.memory_space<hbm>> -> memref<34x1024xf32, #tpu.memory_space<hbm>>
          %dma_start3A_38 = arith.constant 0 : i32
          %dma_start3A_39 = arith.constant 0 : i32
          %dma_start3A_40 = tpu.memref_slice %arg4[%dma_start3A_38, %dma_start3A_39] : memref<34x1024xf32, #tpu.memory_space<vmem>> -> memref<34x1024xf32, #tpu.memory_space<vmem>>
          %dma_start3A_41 = arith.constant 0 : i32
          %dma_start3A_42 = tpu.memref_slice %arg2[%sub3A_33, %dma_start3A_41] : memref<4096x1024xf32, #tpu.memory_space<hbm>> -> memref<34x1024xf32, #tpu.memory_space<hbm>>
          tpu.enqueue_dma source(%dma_start3A_42 : memref<34x1024xf32, #tpu.memory_space<hbm>>) target(%dma_start3A_40 : memref<34x1024xf32, #tpu.memory_space<vmem>>) target_semaphore(%run_scoped3A : memref<!tpu.dma_semaphore, #tpu.memory_space<semaphore_mem>>)
          %dma_wait3A = arith.constant 0 : i32
          %dma_wait3A_43 = arith.constant 0 : i32
          %dma_wait3A_44 = tpu.memref_slice %arg4[%dma_wait3A, %dma_wait3A_43] : memref<34x1024xf32, #tpu.memory_space<vmem>> -> memref<34x1024xf32, #tpu.memory_space<vmem>>
          %dma_wait3A_45 = arith.constant 0 : i32
          %dma_wait3A_46 = tpu.memref_slice %arg2[%sub3A_33, %dma_wait3A_45] : memref<4096x1024xf32, #tpu.memory_space<hbm>> -> memref<34x1024xf32, #tpu.memory_space<hbm>>
          %dma_wait3A_47 = arith.constant 0 : i32
          %dma_wait3A_48 = arith.constant 0 : i32
          %dma_wait3A_49 = tpu.memref_slice %arg4[%dma_wait3A_47, %dma_wait3A_48] : memref<34x1024xf32, #tpu.memory_space<vmem>> -> memref<34x1024xf32, #tpu.memory_space<vmem>>
          %dma_wait3A_50 = arith.constant 0 : i32
          %dma_wait3A_51 = tpu.memref_slice %arg2[%sub3A_33, %dma_wait3A_50] : memref<4096x1024xf32, #tpu.memory_space<hbm>> -> memref<34x1024xf32, #tpu.memory_space<hbm>>
          tpu.wait_dma2 semaphore(%run_scoped3A : memref<!tpu.dma_semaphore, #tpu.memory_space<semaphore_mem>>) src(%dma_wait3A_51 : memref<34x1024xf32, #tpu.memory_space<hbm>>) dst(%dma_wait3A_49 : memref<34x1024xf32, #tpu.memory_space<vmem>>)
          tpu.yield
        }) : () -> ()
      } else {
      }
      %mul3A_29 = arith.constant 1024 : i32
      %mul3A_30 = arith.muli %add3A_10, %mul3A_29 : i32
      %parallel_loop3A = arith.constant 0 : i32
      %parallel_loop3A_31 = arith.constant 2048 : i32
      %parallel_loop3A_32 = arith.constant 1 : i32
      scf.for %parallel_loop3A_33 = %parallel_loop3A to %parallel_loop3A_31 step %parallel_loop3A_32  : i32 {
        %parallel_loop3A_34 = arith.constant 6 : i32
        %parallel_loop3A_35 = arith.shrui %parallel_loop3A_33, %parallel_loop3A_34 : i32
        %parallel_loop3A_36 = arith.constant 63 : i32
        %parallel_loop3A_37 = arith.andi %parallel_loop3A_33, %parallel_loop3A_36 : i32
        %parallel_loop3A_38 = arith.constant 4 : i32
        %parallel_loop3A_39 = arith.shli %parallel_loop3A_37, %parallel_loop3A_38 : i32
        %parallel_loop3A_40 = arith.constant 1024 : i32
        %parallel_loop3A_41 = arith.muli %parallel_loop3A_35, %parallel_loop3A_40 : i32
        %parallel_loop3A_42 = arith.addi %parallel_loop3A_41, %parallel_loop3A_39 : i32
        %parallel_loop3A_43 = arith.addi %mul3A_30, %parallel_loop3A_42 : i32
        %parallel_loop3A_44 = vector.broadcast %parallel_loop3A_43 : i32 to vector<16xi32>
        %parallel_loop3A_45 = arith.addi %parallel_loop3A_44, %iota3A : vector<16xi32>
        %parallel_loop3A_46 = arith.constant 0 : i32
        %parallel_loop3A_47 = vector.broadcast %parallel_loop3A_46 : i32 to vector<16xi32>
        %parallel_loop3A_48 = arith.constant 42 : i32
        %parallel_loop3A_49 = vector.broadcast %parallel_loop3A_48 : i32 to vector<16xi32>
        %parallel_loop3A_50 = arith.addi %parallel_loop3A_45, %parallel_loop3A_49 : vector<16xi32>
        %parallel_loop3A_51 = arith.addi %parallel_loop3A_47, %parallel_loop3A_50 : vector<16xi32>
        %parallel_loop3A_52 = arith.constant 13 : i32
        %parallel_loop3A_53 = vector.broadcast %parallel_loop3A_52 : i32 to vector<16xi32>
        %parallel_loop3A_54 = arith.shli %parallel_loop3A_50, %parallel_loop3A_53 : vector<16xi32>
        %parallel_loop3A_55 = arith.constant 19 : i32
        %parallel_loop3A_56 = vector.broadcast %parallel_loop3A_55 : i32 to vector<16xi32>
        %parallel_loop3A_57 = arith.shrui %parallel_loop3A_50, %parallel_loop3A_56 : vector<16xi32>
        %parallel_loop3A_58 = arith.ori %parallel_loop3A_54, %parallel_loop3A_57 : vector<16xi32>
        %parallel_loop3A_59 = arith.xori %parallel_loop3A_51, %parallel_loop3A_58 : vector<16xi32>
        %parallel_loop3A_60 = arith.addi %parallel_loop3A_51, %parallel_loop3A_59 : vector<16xi32>
        %parallel_loop3A_61 = arith.constant 15 : i32
        %parallel_loop3A_62 = vector.broadcast %parallel_loop3A_61 : i32 to vector<16xi32>
        %parallel_loop3A_63 = arith.shli %parallel_loop3A_59, %parallel_loop3A_62 : vector<16xi32>
        %parallel_loop3A_64 = arith.constant 17 : i32
        %parallel_loop3A_65 = vector.broadcast %parallel_loop3A_64 : i32 to vector<16xi32>
        %parallel_loop3A_66 = arith.shrui %parallel_loop3A_59, %parallel_loop3A_65 : vector<16xi32>
        %parallel_loop3A_67 = arith.ori %parallel_loop3A_63, %parallel_loop3A_66 : vector<16xi32>
        %parallel_loop3A_68 = arith.xori %parallel_loop3A_60, %parallel_loop3A_67 : vector<16xi32>
        %parallel_loop3A_69 = arith.addi %parallel_loop3A_60, %parallel_loop3A_68 : vector<16xi32>
        %parallel_loop3A_70 = arith.constant 26 : i32
        %parallel_loop3A_71 = vector.broadcast %parallel_loop3A_70 : i32 to vector<16xi32>
        %parallel_loop3A_72 = arith.shli %parallel_loop3A_68, %parallel_loop3A_71 : vector<16xi32>
        %parallel_loop3A_73 = arith.constant 6 : i32
        %parallel_loop3A_74 = vector.broadcast %parallel_loop3A_73 : i32 to vector<16xi32>
        %parallel_loop3A_75 = arith.shrui %parallel_loop3A_68, %parallel_loop3A_74 : vector<16xi32>
        %parallel_loop3A_76 = arith.ori %parallel_loop3A_72, %parallel_loop3A_75 : vector<16xi32>
        %parallel_loop3A_77 = arith.xori %parallel_loop3A_69, %parallel_loop3A_76 : vector<16xi32>
        %parallel_loop3A_78 = arith.addi %parallel_loop3A_69, %parallel_loop3A_77 : vector<16xi32>
        %parallel_loop3A_79 = arith.constant 6 : i32
        %parallel_loop3A_80 = vector.broadcast %parallel_loop3A_79 : i32 to vector<16xi32>
        %parallel_loop3A_81 = arith.shli %parallel_loop3A_77, %parallel_loop3A_80 : vector<16xi32>
        %parallel_loop3A_82 = arith.constant 26 : i32
        %parallel_loop3A_83 = vector.broadcast %parallel_loop3A_82 : i32 to vector<16xi32>
        %parallel_loop3A_84 = arith.shrui %parallel_loop3A_77, %parallel_loop3A_83 : vector<16xi32>
        %parallel_loop3A_85 = arith.ori %parallel_loop3A_81, %parallel_loop3A_84 : vector<16xi32>
        %parallel_loop3A_86 = arith.xori %parallel_loop3A_78, %parallel_loop3A_85 : vector<16xi32>
        %parallel_loop3A_87 = arith.constant 42 : i32
        %parallel_loop3A_88 = vector.broadcast %parallel_loop3A_87 : i32 to vector<16xi32>
        %parallel_loop3A_89 = arith.addi %parallel_loop3A_78, %parallel_loop3A_88 : vector<16xi32>
        %parallel_loop3A_90 = arith.constant 466689009 : i32
        %parallel_loop3A_91 = vector.broadcast %parallel_loop3A_90 : i32 to vector<16xi32>
        %parallel_loop3A_92 = arith.addi %parallel_loop3A_86, %parallel_loop3A_91 : vector<16xi32>
        %parallel_loop3A_93 = arith.addi %parallel_loop3A_89, %parallel_loop3A_92 : vector<16xi32>
        %parallel_loop3A_94 = arith.constant 17 : i32
        %parallel_loop3A_95 = vector.broadcast %parallel_loop3A_94 : i32 to vector<16xi32>
        %parallel_loop3A_96 = arith.shli %parallel_loop3A_92, %parallel_loop3A_95 : vector<16xi32>
        %parallel_loop3A_97 = arith.constant 15 : i32
        %parallel_loop3A_98 = vector.broadcast %parallel_loop3A_97 : i32 to vector<16xi32>
        %parallel_loop3A_99 = arith.shrui %parallel_loop3A_92, %parallel_loop3A_98 : vector<16xi32>
        %parallel_loop3A_100 = arith.ori %parallel_loop3A_96, %parallel_loop3A_99 : vector<16xi32>
        %parallel_loop3A_101 = arith.xori %parallel_loop3A_93, %parallel_loop3A_100 : vector<16xi32>
        %parallel_loop3A_102 = arith.addi %parallel_loop3A_93, %parallel_loop3A_101 : vector<16xi32>
        %parallel_loop3A_103 = arith.constant 29 : i32
        %parallel_loop3A_104 = vector.broadcast %parallel_loop3A_103 : i32 to vector<16xi32>
        %parallel_loop3A_105 = arith.shli %parallel_loop3A_101, %parallel_loop3A_104 : vector<16xi32>
        %parallel_loop3A_106 = arith.constant 3 : i32
        %parallel_loop3A_107 = vector.broadcast %parallel_loop3A_106 : i32 to vector<16xi32>
        %parallel_loop3A_108 = arith.shrui %parallel_loop3A_101, %parallel_loop3A_107 : vector<16xi32>
        %parallel_loop3A_109 = arith.ori %parallel_loop3A_105, %parallel_loop3A_108 : vector<16xi32>
        %parallel_loop3A_110 = arith.xori %parallel_loop3A_102, %parallel_loop3A_109 : vector<16xi32>
        %parallel_loop3A_111 = arith.addi %parallel_loop3A_102, %parallel_loop3A_110 : vector<16xi32>
        %parallel_loop3A_112 = arith.constant 16 : i32
        %parallel_loop3A_113 = vector.broadcast %parallel_loop3A_112 : i32 to vector<16xi32>
        %parallel_loop3A_114 = arith.shli %parallel_loop3A_110, %parallel_loop3A_113 : vector<16xi32>
        %parallel_loop3A_115 = arith.constant 16 : i32
        %parallel_loop3A_116 = vector.broadcast %parallel_loop3A_115 : i32 to vector<16xi32>
        %parallel_loop3A_117 = arith.shrui %parallel_loop3A_110, %parallel_loop3A_116 : vector<16xi32>
        %parallel_loop3A_118 = arith.ori %parallel_loop3A_114, %parallel_loop3A_117 : vector<16xi32>
        %parallel_loop3A_119 = arith.xori %parallel_loop3A_111, %parallel_loop3A_118 : vector<16xi32>
        %parallel_loop3A_120 = arith.addi %parallel_loop3A_111, %parallel_loop3A_119 : vector<16xi32>
        %parallel_loop3A_121 = arith.constant 24 : i32
        %parallel_loop3A_122 = vector.broadcast %parallel_loop3A_121 : i32 to vector<16xi32>
        %parallel_loop3A_123 = arith.shli %parallel_loop3A_119, %parallel_loop3A_122 : vector<16xi32>
        %parallel_loop3A_124 = arith.constant 8 : i32
        %parallel_loop3A_125 = vector.broadcast %parallel_loop3A_124 : i32 to vector<16xi32>
        %parallel_loop3A_126 = arith.shrui %parallel_loop3A_119, %parallel_loop3A_125 : vector<16xi32>
        %parallel_loop3A_127 = arith.ori %parallel_loop3A_123, %parallel_loop3A_126 : vector<16xi32>
        %parallel_loop3A_128 = arith.xori %parallel_loop3A_120, %parallel_loop3A_127 : vector<16xi32>
        %parallel_loop3A_129 = arith.constant 466689008 : i32
        %parallel_loop3A_130 = vector.broadcast %parallel_loop3A_129 : i32 to vector<16xi32>
        %parallel_loop3A_131 = arith.addi %parallel_loop3A_120, %parallel_loop3A_130 : vector<16xi32>
        %parallel_loop3A_132 = arith.constant 2 : i32
        %parallel_loop3A_133 = vector.broadcast %parallel_loop3A_132 : i32 to vector<16xi32>
        %parallel_loop3A_134 = arith.addi %parallel_loop3A_128, %parallel_loop3A_133 : vector<16xi32>
        %parallel_loop3A_135 = arith.addi %parallel_loop3A_131, %parallel_loop3A_134 : vector<16xi32>
        %parallel_loop3A_136 = arith.constant 13 : i32
        %parallel_loop3A_137 = vector.broadcast %parallel_loop3A_136 : i32 to vector<16xi32>
        %parallel_loop3A_138 = arith.shli %parallel_loop3A_134, %parallel_loop3A_137 : vector<16xi32>
        %parallel_loop3A_139 = arith.constant 19 : i32
        %parallel_loop3A_140 = vector.broadcast %parallel_loop3A_139 : i32 to vector<16xi32>
        %parallel_loop3A_141 = arith.shrui %parallel_loop3A_134, %parallel_loop3A_140 : vector<16xi32>
        %parallel_loop3A_142 = arith.ori %parallel_loop3A_138, %parallel_loop3A_141 : vector<16xi32>
        %parallel_loop3A_143 = arith.xori %parallel_loop3A_135, %parallel_loop3A_142 : vector<16xi32>
        %parallel_loop3A_144 = arith.addi %parallel_loop3A_135, %parallel_loop3A_143 : vector<16xi32>
        %parallel_loop3A_145 = arith.constant 15 : i32
        %parallel_loop3A_146 = vector.broadcast %parallel_loop3A_145 : i32 to vector<16xi32>
        %parallel_loop3A_147 = arith.shli %parallel_loop3A_143, %parallel_loop3A_146 : vector<16xi32>
        %parallel_loop3A_148 = arith.constant 17 : i32
        %parallel_loop3A_149 = vector.broadcast %parallel_loop3A_148 : i32 to vector<16xi32>
        %parallel_loop3A_150 = arith.shrui %parallel_loop3A_143, %parallel_loop3A_149 : vector<16xi32>
        %parallel_loop3A_151 = arith.ori %parallel_loop3A_147, %parallel_loop3A_150 : vector<16xi32>
        %parallel_loop3A_152 = arith.xori %parallel_loop3A_144, %parallel_loop3A_151 : vector<16xi32>
        %parallel_loop3A_153 = arith.addi %parallel_loop3A_144, %parallel_loop3A_152 : vector<16xi32>
        %parallel_loop3A_154 = arith.constant 26 : i32
        %parallel_loop3A_155 = vector.broadcast %parallel_loop3A_154 : i32 to vector<16xi32>
        %parallel_loop3A_156 = arith.shli %parallel_loop3A_152, %parallel_loop3A_155 : vector<16xi32>
        %parallel_loop3A_157 = arith.constant 6 : i32
        %parallel_loop3A_158 = vector.broadcast %parallel_loop3A_157 : i32 to vector<16xi32>
        %parallel_loop3A_159 = arith.shrui %parallel_loop3A_152, %parallel_loop3A_158 : vector<16xi32>
        %parallel_loop3A_160 = arith.ori %parallel_loop3A_156, %parallel_loop3A_159 : vector<16xi32>
        %parallel_loop3A_161 = arith.xori %parallel_loop3A_153, %parallel_loop3A_160 : vector<16xi32>
        %parallel_loop3A_162 = arith.addi %parallel_loop3A_153, %parallel_loop3A_161 : vector<16xi32>
        %parallel_loop3A_163 = arith.constant 6 : i32
        %parallel_loop3A_164 = vector.broadcast %parallel_loop3A_163 : i32 to vector<16xi32>
        %parallel_loop3A_165 = arith.shli %parallel_loop3A_161, %parallel_loop3A_164 : vector<16xi32>
        %parallel_loop3A_166 = arith.constant 26 : i32
        %parallel_loop3A_167 = vector.broadcast %parallel_loop3A_166 : i32 to vector<16xi32>
        %parallel_loop3A_168 = arith.shrui %parallel_loop3A_161, %parallel_loop3A_167 : vector<16xi32>
        %parallel_loop3A_169 = arith.ori %parallel_loop3A_165, %parallel_loop3A_168 : vector<16xi32>
        %parallel_loop3A_170 = arith.xori %parallel_loop3A_162, %parallel_loop3A_169 : vector<16xi32>
        %parallel_loop3A_171 = arith.constant 0 : i32
        %parallel_loop3A_172 = vector.broadcast %parallel_loop3A_171 : i32 to vector<16xi32>
        %parallel_loop3A_173 = arith.addi %parallel_loop3A_162, %parallel_loop3A_172 : vector<16xi32>
        %parallel_loop3A_174 = arith.constant 45 : i32
        %parallel_loop3A_175 = vector.broadcast %parallel_loop3A_174 : i32 to vector<16xi32>
        %parallel_loop3A_176 = arith.addi %parallel_loop3A_170, %parallel_loop3A_175 : vector<16xi32>
        %parallel_loop3A_177 = arith.addi %parallel_loop3A_173, %parallel_loop3A_176 : vector<16xi32>
        %parallel_loop3A_178 = arith.constant 17 : i32
        %parallel_loop3A_179 = vector.broadcast %parallel_loop3A_178 : i32 to vector<16xi32>
        %parallel_loop3A_180 = arith.shli %parallel_loop3A_176, %parallel_loop3A_179 : vector<16xi32>
        %parallel_loop3A_181 = arith.constant 15 : i32
        %parallel_loop3A_182 = vector.broadcast %parallel_loop3A_181 : i32 to vector<16xi32>
        %parallel_loop3A_183 = arith.shrui %parallel_loop3A_176, %parallel_loop3A_182 : vector<16xi32>
        %parallel_loop3A_184 = arith.ori %parallel_loop3A_180, %parallel_loop3A_183 : vector<16xi32>
        %parallel_loop3A_185 = arith.xori %parallel_loop3A_177, %parallel_loop3A_184 : vector<16xi32>
        %parallel_loop3A_186 = arith.addi %parallel_loop3A_177, %parallel_loop3A_185 : vector<16xi32>
        %parallel_loop3A_187 = arith.constant 29 : i32
        %parallel_loop3A_188 = vector.broadcast %parallel_loop3A_187 : i32 to vector<16xi32>
        %parallel_loop3A_189 = arith.shli %parallel_loop3A_185, %parallel_loop3A_188 : vector<16xi32>
        %parallel_loop3A_190 = arith.constant 3 : i32
        %parallel_loop3A_191 = vector.broadcast %parallel_loop3A_190 : i32 to vector<16xi32>
        %parallel_loop3A_192 = arith.shrui %parallel_loop3A_185, %parallel_loop3A_191 : vector<16xi32>
        %parallel_loop3A_193 = arith.ori %parallel_loop3A_189, %parallel_loop3A_192 : vector<16xi32>
        %parallel_loop3A_194 = arith.xori %parallel_loop3A_186, %parallel_loop3A_193 : vector<16xi32>
        %parallel_loop3A_195 = arith.addi %parallel_loop3A_186, %parallel_loop3A_194 : vector<16xi32>
        %parallel_loop3A_196 = arith.constant 16 : i32
        %parallel_loop3A_197 = vector.broadcast %parallel_loop3A_196 : i32 to vector<16xi32>
        %parallel_loop3A_198 = arith.shli %parallel_loop3A_194, %parallel_loop3A_197 : vector<16xi32>
        %parallel_loop3A_199 = arith.constant 16 : i32
        %parallel_loop3A_200 = vector.broadcast %parallel_loop3A_199 : i32 to vector<16xi32>
        %parallel_loop3A_201 = arith.shrui %parallel_loop3A_194, %parallel_loop3A_200 : vector<16xi32>
        %parallel_loop3A_202 = arith.ori %parallel_loop3A_198, %parallel_loop3A_201 : vector<16xi32>
        %parallel_loop3A_203 = arith.xori %parallel_loop3A_195, %parallel_loop3A_202 : vector<16xi32>
        %parallel_loop3A_204 = arith.addi %parallel_loop3A_195, %parallel_loop3A_203 : vector<16xi32>
        %parallel_loop3A_205 = arith.constant 24 : i32
        %parallel_loop3A_206 = vector.broadcast %parallel_loop3A_205 : i32 to vector<16xi32>
        %parallel_loop3A_207 = arith.shli %parallel_loop3A_203, %parallel_loop3A_206 : vector<16xi32>
        %parallel_loop3A_208 = arith.constant 8 : i32
        %parallel_loop3A_209 = vector.broadcast %parallel_loop3A_208 : i32 to vector<16xi32>
        %parallel_loop3A_210 = arith.shrui %parallel_loop3A_203, %parallel_loop3A_209 : vector<16xi32>
        %parallel_loop3A_211 = arith.ori %parallel_loop3A_207, %parallel_loop3A_210 : vector<16xi32>
        %parallel_loop3A_212 = arith.xori %parallel_loop3A_204, %parallel_loop3A_211 : vector<16xi32>
        %parallel_loop3A_213 = arith.constant 42 : i32
        %parallel_loop3A_214 = vector.broadcast %parallel_loop3A_213 : i32 to vector<16xi32>
        %parallel_loop3A_215 = arith.addi %parallel_loop3A_204, %parallel_loop3A_214 : vector<16xi32>
        %parallel_loop3A_216 = arith.constant 466689012 : i32
        %parallel_loop3A_217 = vector.broadcast %parallel_loop3A_216 : i32 to vector<16xi32>
        %parallel_loop3A_218 = arith.addi %parallel_loop3A_212, %parallel_loop3A_217 : vector<16xi32>
        %parallel_loop3A_219 = arith.addi %parallel_loop3A_215, %parallel_loop3A_218 : vector<16xi32>
        %parallel_loop3A_220 = arith.constant 13 : i32
        %parallel_loop3A_221 = vector.broadcast %parallel_loop3A_220 : i32 to vector<16xi32>
        %parallel_loop3A_222 = arith.shli %parallel_loop3A_218, %parallel_loop3A_221 : vector<16xi32>
        %parallel_loop3A_223 = arith.constant 19 : i32
        %parallel_loop3A_224 = vector.broadcast %parallel_loop3A_223 : i32 to vector<16xi32>
        %parallel_loop3A_225 = arith.shrui %parallel_loop3A_218, %parallel_loop3A_224 : vector<16xi32>
        %parallel_loop3A_226 = arith.ori %parallel_loop3A_222, %parallel_loop3A_225 : vector<16xi32>
        %parallel_loop3A_227 = arith.xori %parallel_loop3A_219, %parallel_loop3A_226 : vector<16xi32>
        %parallel_loop3A_228 = arith.addi %parallel_loop3A_219, %parallel_loop3A_227 : vector<16xi32>
        %parallel_loop3A_229 = arith.constant 15 : i32
        %parallel_loop3A_230 = vector.broadcast %parallel_loop3A_229 : i32 to vector<16xi32>
        %parallel_loop3A_231 = arith.shli %parallel_loop3A_227, %parallel_loop3A_230 : vector<16xi32>
        %parallel_loop3A_232 = arith.constant 17 : i32
        %parallel_loop3A_233 = vector.broadcast %parallel_loop3A_232 : i32 to vector<16xi32>
        %parallel_loop3A_234 = arith.shrui %parallel_loop3A_227, %parallel_loop3A_233 : vector<16xi32>
        %parallel_loop3A_235 = arith.ori %parallel_loop3A_231, %parallel_loop3A_234 : vector<16xi32>
        %parallel_loop3A_236 = arith.xori %parallel_loop3A_228, %parallel_loop3A_235 : vector<16xi32>
        %parallel_loop3A_237 = arith.addi %parallel_loop3A_228, %parallel_loop3A_236 : vector<16xi32>
        %parallel_loop3A_238 = arith.constant 26 : i32
        %parallel_loop3A_239 = vector.broadcast %parallel_loop3A_238 : i32 to vector<16xi32>
        %parallel_loop3A_240 = arith.shli %parallel_loop3A_236, %parallel_loop3A_239 : vector<16xi32>
        %parallel_loop3A_241 = arith.constant 6 : i32
        %parallel_loop3A_242 = vector.broadcast %parallel_loop3A_241 : i32 to vector<16xi32>
        %parallel_loop3A_243 = arith.shrui %parallel_loop3A_236, %parallel_loop3A_242 : vector<16xi32>
        %parallel_loop3A_244 = arith.ori %parallel_loop3A_240, %parallel_loop3A_243 : vector<16xi32>
        %parallel_loop3A_245 = arith.xori %parallel_loop3A_237, %parallel_loop3A_244 : vector<16xi32>
        %parallel_loop3A_246 = arith.addi %parallel_loop3A_237, %parallel_loop3A_245 : vector<16xi32>
        %parallel_loop3A_247 = arith.constant 6 : i32
        %parallel_loop3A_248 = vector.broadcast %parallel_loop3A_247 : i32 to vector<16xi32>
        %parallel_loop3A_249 = arith.shli %parallel_loop3A_245, %parallel_loop3A_248 : vector<16xi32>
        %parallel_loop3A_250 = arith.constant 26 : i32
        %parallel_loop3A_251 = vector.broadcast %parallel_loop3A_250 : i32 to vector<16xi32>
        %parallel_loop3A_252 = arith.shrui %parallel_loop3A_245, %parallel_loop3A_251 : vector<16xi32>
        %parallel_loop3A_253 = arith.ori %parallel_loop3A_249, %parallel_loop3A_252 : vector<16xi32>
        %parallel_loop3A_254 = arith.xori %parallel_loop3A_246, %parallel_loop3A_253 : vector<16xi32>
        %parallel_loop3A_255 = arith.constant 466689008 : i32
        %parallel_loop3A_256 = vector.broadcast %parallel_loop3A_255 : i32 to vector<16xi32>
        %parallel_loop3A_257 = arith.addi %parallel_loop3A_246, %parallel_loop3A_256 : vector<16xi32>
        %parallel_loop3A_258 = arith.constant 5 : i32
        %parallel_loop3A_259 = vector.broadcast %parallel_loop3A_258 : i32 to vector<16xi32>
        %parallel_loop3A_260 = arith.addi %parallel_loop3A_254, %parallel_loop3A_259 : vector<16xi32>
        %parallel_loop3A_261 = arith.xori %parallel_loop3A_257, %parallel_loop3A_260 : vector<16xi32>
        %parallel_loop3A_262 = arith.constant 9 : i32
        %parallel_loop3A_263 = vector.broadcast %parallel_loop3A_262 : i32 to vector<16xi32>
        %parallel_loop3A_264 = arith.shrui %parallel_loop3A_261, %parallel_loop3A_263 : vector<16xi32>
        %parallel_loop3A_265 = arith.index_cast %parallel_loop3A_35 : i32 to index
        %parallel_loop3A_266 = arith.index_cast %parallel_loop3A_39 : i32 to index
        %parallel_loop3A_267 = tpu.vector_load %arg4[%parallel_loop3A_265, %parallel_loop3A_266] {strides = array<i32>} : memref<34x1024xf32, #tpu.memory_space<vmem>>, vector<1x16xf32>,
        %parallel_loop3A_268 = vector.shape_cast %parallel_loop3A_267 : vector<1x16xf32> to vector<16xf32>
        %parallel_loop3A_269 = arith.constant 1 : i32
        %parallel_loop3A_270 = arith.addi %parallel_loop3A_35, %parallel_loop3A_269 : i32
        %parallel_loop3A_271 = arith.index_cast %parallel_loop3A_270 : i32 to index
        %parallel_loop3A_272 = arith.index_cast %parallel_loop3A_39 : i32 to index
        %parallel_loop3A_273 = tpu.vector_load %arg4[%parallel_loop3A_271, %parallel_loop3A_272] {strides = array<i32>} : memref<34x1024xf32, #tpu.memory_space<vmem>>, vector<1x16xf32>,
        %parallel_loop3A_274 = vector.shape_cast %parallel_loop3A_273 : vector<1x16xf32> to vector<16xf32>
        %parallel_loop3A_275 = arith.constant 2 : i32
        %parallel_loop3A_276 = arith.addi %parallel_loop3A_35, %parallel_loop3A_275 : i32
        %parallel_loop3A_277 = arith.index_cast %parallel_loop3A_276 : i32 to index
        %parallel_loop3A_278 = arith.index_cast %parallel_loop3A_39 : i32 to index
        %parallel_loop3A_279 = tpu.vector_load %arg4[%parallel_loop3A_277, %parallel_loop3A_278] {strides = array<i32>} : memref<34x1024xf32, #tpu.memory_space<vmem>>, vector<1x16xf32>,
        %parallel_loop3A_280 = vector.shape_cast %parallel_loop3A_279 : vector<1x16xf32> to vector<16xf32>
        %parallel_loop3A_281 = arith.constant 419430 : i32
        %parallel_loop3A_282 = vector.broadcast %parallel_loop3A_281 : i32 to vector<16xi32>
        %parallel_loop3A_283 = arith.cmpi ule, %parallel_loop3A_264, %parallel_loop3A_282 : vector<16xi32>
        %parallel_loop3A_284 = arith.select %parallel_loop3A_283, %parallel_loop3A_268, %parallel_loop3A_280 : vector<16xi1>, vector<16xf32>
        %parallel_loop3A_285 = arith.constant 838860 : i32
        %parallel_loop3A_286 = vector.broadcast %parallel_loop3A_285 : i32 to vector<16xi32>
        %parallel_loop3A_287 = arith.cmpi ule, %parallel_loop3A_264, %parallel_loop3A_286 : vector<16xi32>
        %parallel_loop3A_288 = arith.select %parallel_loop3A_287, %parallel_loop3A_284, %parallel_loop3A_274 : vector<16xi1>, vector<16xf32>
        %parallel_loop3A_289 = arith.index_cast %parallel_loop3A_35 : i32 to index
        %parallel_loop3A_290 = arith.index_cast %parallel_loop3A_39 : i32 to index
        %parallel_loop3A_291 = tpu.vector_load %arg5[%parallel_loop3A_289, %parallel_loop3A_290] {strides = array<i32>} : memref<32x1024xf32, #tpu.memory_space<vmem>>, vector<1x16xf32>,
        %parallel_loop3A_292 = vector.shape_cast %parallel_loop3A_291 : vector<1x16xf32> to vector<16xf32>
        %parallel_loop3A_293 = vector.shape_cast %parallel_loop3A_288 : vector<16xf32> to vector<1x16xf32>
        tpu.vector_store %arg5[%parallel_loop3A_289, %parallel_loop3A_290], %parallel_loop3A_293 {strides = array<i32>} : memref<32x1024xf32, #tpu.memory_space<vmem>>, vector<1x16xf32>,
      } {sc.loop_unroll_factor = 2 : i64, sc.parallel_access}
      "tpu.region"() ({
        %run_scoped3A = tpu.sem_alloc : memref<!tpu.dma_semaphore, #tpu.memory_space<semaphore_mem>>
        %dma_start3A = arith.constant 0 : i32
        %dma_start3A_33 = tpu.memref_slice %arg3[%add3A_10, %dma_start3A] : memref<4096x1024xf32, #tpu.memory_space<hbm>> -> memref<32x1024xf32, #tpu.memory_space<hbm>>
        %dma_start3A_34 = arith.constant 0 : i32
        %dma_start3A_35 = tpu.memref_slice %arg3[%add3A_10, %dma_start3A_34] : memref<4096x1024xf32, #tpu.memory_space<hbm>> -> memref<32x1024xf32, #tpu.memory_space<hbm>>
        tpu.enqueue_dma source(%arg5 : memref<32x1024xf32, #tpu.memory_space<vmem>>) target(%dma_start3A_35 : memref<32x1024xf32, #tpu.memory_space<hbm>>) target_semaphore(%run_scoped3A : memref<!tpu.dma_semaphore, #tpu.memory_space<semaphore_mem>>)
        %dma_wait3A = arith.constant 0 : i32
        %dma_wait3A_36 = tpu.memref_slice %arg3[%add3A_10, %dma_wait3A] : memref<4096x1024xf32, #tpu.memory_space<hbm>> -> memref<32x1024xf32, #tpu.memory_space<hbm>>
        %dma_wait3A_37 = arith.constant 0 : i32
        %dma_wait3A_38 = tpu.memref_slice %arg3[%add3A_10, %dma_wait3A_37] : memref<4096x1024xf32, #tpu.memory_space<hbm>> -> memref<32x1024xf32, #tpu.memory_space<hbm>>
        tpu.wait_dma2 semaphore(%run_scoped3A : memref<!tpu.dma_semaphore, #tpu.memory_space<semaphore_mem>>) src(%arg5 : memref<32x1024xf32, #tpu.memory_space<vmem>>) dst(%dma_wait3A_38 : memref<32x1024xf32, #tpu.memory_space<hbm>>)
        tpu.yield
      }) : () -> ()
    }
    %scan3A_6 = arith.constant 4 : i32
    return
  }
}

module attributes {stable_mosaic.version = 14 : i64} {
  func.func @_tc_body(%arg0: i32, %arg1: memref<8x1024xf32, #tpu.memory_space<vmem>>, %arg2: memref<512x1024xf32, #tpu.memory_space<vmem>>, %arg3: memref<8x1024xf32, #tpu.memory_space<vmem>>, %arg4: memref<512x1024xf32, #tpu.memory_space<vmem>>) attributes {dimension_semantics = [#tpu.dimension_semantics<arbitrary>], iteration_bounds = array<i64: 24>, scalar_prefetch = 0 : i64, scratch_operands = 0 : i64, tpu.core_type = #tpu.core_type<tc>, window_params = [{transform_indices = @transform_0, window_bounds = array<i64: 8, 1024>}, {transform_indices = @transform_1, window_bounds = array<i64: 512, 1024>}, {transform_indices = @transform_2, window_bounds = array<i64: 8, 1024>}, {transform_indices = @transform_3, window_bounds = array<i64: 512, 1024>}]} {
    %mul3A = arith.constant 512 : i32
    %mul3A_0 = arith.muli %arg0, %mul3A : i32
    %add3A = arith.constant 4096 : i32
    %add3A_1 = arith.addi %add3A, %mul3A_0 : i32
    %get3A = arith.constant 0 : index
    %get3A_2 = arith.constant 0 : index
    %get3A_3 = vector.load %arg2[%get3A, %get3A_2] : memref<512x1024xf32, #tpu.memory_space<vmem>>, vector<512x1024xf32>
    %get3A_4 = arith.constant 7 : index
    %get3A_5 = arith.constant 0 : index
    %get3A_6 = vector.load %arg1[%get3A_4, %get3A_5] : memref<8x1024xf32, #tpu.memory_space<vmem>>, vector<1x1024xf32>
    %slice3A = vector.extract_strided_slice %get3A_3 {offsets = [0, 0], sizes = [511, 1024], strides = [1, 1]} : vector<512x1024xf32> to vector<511x1024xf32>
    %concatenate3A = tpu.concatenate %get3A_6, %slice3A in 0 : vector<1x1024xf32>, vector<511x1024xf32> -> vector<512x1024xf32>
    %slice3A_7 = vector.extract_strided_slice %get3A_3 {offsets = [1, 0], sizes = [511, 1024], strides = [1, 1]} : vector<512x1024xf32> to vector<511x1024xf32>
    %get3A_8 = arith.constant 0 : index
    %get3A_9 = arith.constant 0 : index
    %get3A_10 = vector.load %arg3[%get3A_8, %get3A_9] : memref<8x1024xf32, #tpu.memory_space<vmem>>, vector<1x1024xf32>
    %concatenate3A_11 = tpu.concatenate %slice3A_7, %get3A_10 in 0 : vector<511x1024xf32>, vector<1x1024xf32> -> vector<512x1024xf32>
    %iota3A = tpu.iota {dimensions = array<i32: 0>} : vector<512x1024xi32>
    %add3A_12 = vector.broadcast %add3A_1 : i32 to vector<512x1024xi32>
    %add3A_13 = arith.addi %add3A_12, %iota3A : vector<512x1024xi32>
    %mul3A_14 = arith.constant 1024 : i32
    %mul3A_15 = vector.broadcast %mul3A_14 : i32 to vector<512x1024xi32>
    %mul3A_16 = arith.muli %add3A_13, %mul3A_15 : vector<512x1024xi32>
    %iota3A_17 = tpu.iota {dimensions = array<i32: 1>} : vector<512x1024xi32>
    %add3A_18 = arith.addi %mul3A_16, %iota3A_17 : vector<512x1024xi32>
    %broadcast_in_dim3A = arith.constant 0 : i32
    %broadcast_in_dim3A_19 = vector.broadcast %broadcast_in_dim3A : i32 to vector<512x1024xi32>
    %add3A_20 = arith.constant 42 : i32
    %add3A_21 = vector.broadcast %add3A_20 : i32 to vector<512x1024xi32>
    %add3A_22 = arith.addi %add3A_18, %add3A_21 : vector<512x1024xi32>
    %add3A_23 = arith.addi %broadcast_in_dim3A_19, %add3A_22 : vector<512x1024xi32>
    %shift_left3A = arith.constant 13 : i32
    %shift_left3A_24 = vector.broadcast %shift_left3A : i32 to vector<512x1024xi32>
    %shift_left3A_25 = arith.shli %add3A_22, %shift_left3A_24 : vector<512x1024xi32>
    %shift_right_logical3A = arith.constant 19 : i32
    %shift_right_logical3A_26 = vector.broadcast %shift_right_logical3A : i32 to vector<512x1024xi32>
    %shift_right_logical3A_27 = arith.shrui %add3A_22, %shift_right_logical3A_26 : vector<512x1024xi32>
    %or3A = arith.ori %shift_left3A_25, %shift_right_logical3A_27 : vector<512x1024xi32>
    %xor3A = arith.xori %add3A_23, %or3A : vector<512x1024xi32>
    %add3A_28 = arith.addi %add3A_23, %xor3A : vector<512x1024xi32>
    %shift_left3A_29 = arith.constant 15 : i32
    %shift_left3A_30 = vector.broadcast %shift_left3A_29 : i32 to vector<512x1024xi32>
    %shift_left3A_31 = arith.shli %xor3A, %shift_left3A_30 : vector<512x1024xi32>
    %shift_right_logical3A_32 = arith.constant 17 : i32
    %shift_right_logical3A_33 = vector.broadcast %shift_right_logical3A_32 : i32 to vector<512x1024xi32>
    %shift_right_logical3A_34 = arith.shrui %xor3A, %shift_right_logical3A_33 : vector<512x1024xi32>
    %or3A_35 = arith.ori %shift_left3A_31, %shift_right_logical3A_34 : vector<512x1024xi32>
    %xor3A_36 = arith.xori %add3A_28, %or3A_35 : vector<512x1024xi32>
    %add3A_37 = arith.addi %add3A_28, %xor3A_36 : vector<512x1024xi32>
    %shift_left3A_38 = arith.constant 26 : i32
    %shift_left3A_39 = vector.broadcast %shift_left3A_38 : i32 to vector<512x1024xi32>
    %shift_left3A_40 = arith.shli %xor3A_36, %shift_left3A_39 : vector<512x1024xi32>
    %shift_right_logical3A_41 = arith.constant 6 : i32
    %shift_right_logical3A_42 = vector.broadcast %shift_right_logical3A_41 : i32 to vector<512x1024xi32>
    %shift_right_logical3A_43 = arith.shrui %xor3A_36, %shift_right_logical3A_42 : vector<512x1024xi32>
    %or3A_44 = arith.ori %shift_left3A_40, %shift_right_logical3A_43 : vector<512x1024xi32>
    %xor3A_45 = arith.xori %add3A_37, %or3A_44 : vector<512x1024xi32>
    %add3A_46 = arith.addi %add3A_37, %xor3A_45 : vector<512x1024xi32>
    %shift_left3A_47 = arith.constant 6 : i32
    %shift_left3A_48 = vector.broadcast %shift_left3A_47 : i32 to vector<512x1024xi32>
    %shift_left3A_49 = arith.shli %xor3A_45, %shift_left3A_48 : vector<512x1024xi32>
    %shift_right_logical3A_50 = arith.constant 26 : i32
    %shift_right_logical3A_51 = vector.broadcast %shift_right_logical3A_50 : i32 to vector<512x1024xi32>
    %shift_right_logical3A_52 = arith.shrui %xor3A_45, %shift_right_logical3A_51 : vector<512x1024xi32>
    %or3A_53 = arith.ori %shift_left3A_49, %shift_right_logical3A_52 : vector<512x1024xi32>
    %xor3A_54 = arith.xori %add3A_46, %or3A_53 : vector<512x1024xi32>
    %add3A_55 = arith.constant 42 : i32
    %add3A_56 = vector.broadcast %add3A_55 : i32 to vector<512x1024xi32>
    %add3A_57 = arith.addi %add3A_46, %add3A_56 : vector<512x1024xi32>
    %add3A_58 = arith.constant 466689009 : i32
    %add3A_59 = vector.broadcast %add3A_58 : i32 to vector<512x1024xi32>
    %add3A_60 = arith.addi %xor3A_54, %add3A_59 : vector<512x1024xi32>
    %add3A_61 = arith.addi %add3A_57, %add3A_60 : vector<512x1024xi32>
    %shift_left3A_62 = arith.constant 17 : i32
    %shift_left3A_63 = vector.broadcast %shift_left3A_62 : i32 to vector<512x1024xi32>
    %shift_left3A_64 = arith.shli %add3A_60, %shift_left3A_63 : vector<512x1024xi32>
    %shift_right_logical3A_65 = arith.constant 15 : i32
    %shift_right_logical3A_66 = vector.broadcast %shift_right_logical3A_65 : i32 to vector<512x1024xi32>
    %shift_right_logical3A_67 = arith.shrui %add3A_60, %shift_right_logical3A_66 : vector<512x1024xi32>
    %or3A_68 = arith.ori %shift_left3A_64, %shift_right_logical3A_67 : vector<512x1024xi32>
    %xor3A_69 = arith.xori %add3A_61, %or3A_68 : vector<512x1024xi32>
    %add3A_70 = arith.addi %add3A_61, %xor3A_69 : vector<512x1024xi32>
    %shift_left3A_71 = arith.constant 29 : i32
    %shift_left3A_72 = vector.broadcast %shift_left3A_71 : i32 to vector<512x1024xi32>
    %shift_left3A_73 = arith.shli %xor3A_69, %shift_left3A_72 : vector<512x1024xi32>
    %shift_right_logical3A_74 = arith.constant 3 : i32
    %shift_right_logical3A_75 = vector.broadcast %shift_right_logical3A_74 : i32 to vector<512x1024xi32>
    %shift_right_logical3A_76 = arith.shrui %xor3A_69, %shift_right_logical3A_75 : vector<512x1024xi32>
    %or3A_77 = arith.ori %shift_left3A_73, %shift_right_logical3A_76 : vector<512x1024xi32>
    %xor3A_78 = arith.xori %add3A_70, %or3A_77 : vector<512x1024xi32>
    %add3A_79 = arith.addi %add3A_70, %xor3A_78 : vector<512x1024xi32>
    %shift_left3A_80 = arith.constant 16 : i32
    %shift_left3A_81 = vector.broadcast %shift_left3A_80 : i32 to vector<512x1024xi32>
    %shift_left3A_82 = arith.shli %xor3A_78, %shift_left3A_81 : vector<512x1024xi32>
    %shift_right_logical3A_83 = arith.constant 16 : i32
    %shift_right_logical3A_84 = vector.broadcast %shift_right_logical3A_83 : i32 to vector<512x1024xi32>
    %shift_right_logical3A_85 = arith.shrui %xor3A_78, %shift_right_logical3A_84 : vector<512x1024xi32>
    %or3A_86 = arith.ori %shift_left3A_82, %shift_right_logical3A_85 : vector<512x1024xi32>
    %xor3A_87 = arith.xori %add3A_79, %or3A_86 : vector<512x1024xi32>
    %add3A_88 = arith.addi %add3A_79, %xor3A_87 : vector<512x1024xi32>
    %shift_left3A_89 = arith.constant 24 : i32
    %shift_left3A_90 = vector.broadcast %shift_left3A_89 : i32 to vector<512x1024xi32>
    %shift_left3A_91 = arith.shli %xor3A_87, %shift_left3A_90 : vector<512x1024xi32>
    %shift_right_logical3A_92 = arith.constant 8 : i32
    %shift_right_logical3A_93 = vector.broadcast %shift_right_logical3A_92 : i32 to vector<512x1024xi32>
    %shift_right_logical3A_94 = arith.shrui %xor3A_87, %shift_right_logical3A_93 : vector<512x1024xi32>
    %or3A_95 = arith.ori %shift_left3A_91, %shift_right_logical3A_94 : vector<512x1024xi32>
    %xor3A_96 = arith.xori %add3A_88, %or3A_95 : vector<512x1024xi32>
    %add3A_97 = arith.constant 466689008 : i32
    %add3A_98 = vector.broadcast %add3A_97 : i32 to vector<512x1024xi32>
    %add3A_99 = arith.addi %add3A_88, %add3A_98 : vector<512x1024xi32>
    %add3A_100 = arith.constant 2 : i32
    %add3A_101 = vector.broadcast %add3A_100 : i32 to vector<512x1024xi32>
    %add3A_102 = arith.addi %xor3A_96, %add3A_101 : vector<512x1024xi32>
    %add3A_103 = arith.addi %add3A_99, %add3A_102 : vector<512x1024xi32>
    %shift_left3A_104 = arith.constant 13 : i32
    %shift_left3A_105 = vector.broadcast %shift_left3A_104 : i32 to vector<512x1024xi32>
    %shift_left3A_106 = arith.shli %add3A_102, %shift_left3A_105 : vector<512x1024xi32>
    %shift_right_logical3A_107 = arith.constant 19 : i32
    %shift_right_logical3A_108 = vector.broadcast %shift_right_logical3A_107 : i32 to vector<512x1024xi32>
    %shift_right_logical3A_109 = arith.shrui %add3A_102, %shift_right_logical3A_108 : vector<512x1024xi32>
    %or3A_110 = arith.ori %shift_left3A_106, %shift_right_logical3A_109 : vector<512x1024xi32>
    %xor3A_111 = arith.xori %add3A_103, %or3A_110 : vector<512x1024xi32>
    %add3A_112 = arith.addi %add3A_103, %xor3A_111 : vector<512x1024xi32>
    %shift_left3A_113 = arith.constant 15 : i32
    %shift_left3A_114 = vector.broadcast %shift_left3A_113 : i32 to vector<512x1024xi32>
    %shift_left3A_115 = arith.shli %xor3A_111, %shift_left3A_114 : vector<512x1024xi32>
    %shift_right_logical3A_116 = arith.constant 17 : i32
    %shift_right_logical3A_117 = vector.broadcast %shift_right_logical3A_116 : i32 to vector<512x1024xi32>
    %shift_right_logical3A_118 = arith.shrui %xor3A_111, %shift_right_logical3A_117 : vector<512x1024xi32>
    %or3A_119 = arith.ori %shift_left3A_115, %shift_right_logical3A_118 : vector<512x1024xi32>
    %xor3A_120 = arith.xori %add3A_112, %or3A_119 : vector<512x1024xi32>
    %add3A_121 = arith.addi %add3A_112, %xor3A_120 : vector<512x1024xi32>
    %shift_left3A_122 = arith.constant 26 : i32
    %shift_left3A_123 = vector.broadcast %shift_left3A_122 : i32 to vector<512x1024xi32>
    %shift_left3A_124 = arith.shli %xor3A_120, %shift_left3A_123 : vector<512x1024xi32>
    %shift_right_logical3A_125 = arith.constant 6 : i32
    %shift_right_logical3A_126 = vector.broadcast %shift_right_logical3A_125 : i32 to vector<512x1024xi32>
    %shift_right_logical3A_127 = arith.shrui %xor3A_120, %shift_right_logical3A_126 : vector<512x1024xi32>
    %or3A_128 = arith.ori %shift_left3A_124, %shift_right_logical3A_127 : vector<512x1024xi32>
    %xor3A_129 = arith.xori %add3A_121, %or3A_128 : vector<512x1024xi32>
    %add3A_130 = arith.addi %add3A_121, %xor3A_129 : vector<512x1024xi32>
    %shift_left3A_131 = arith.constant 6 : i32
    %shift_left3A_132 = vector.broadcast %shift_left3A_131 : i32 to vector<512x1024xi32>
    %shift_left3A_133 = arith.shli %xor3A_129, %shift_left3A_132 : vector<512x1024xi32>
    %shift_right_logical3A_134 = arith.constant 26 : i32
    %shift_right_logical3A_135 = vector.broadcast %shift_right_logical3A_134 : i32 to vector<512x1024xi32>
    %shift_right_logical3A_136 = arith.shrui %xor3A_129, %shift_right_logical3A_135 : vector<512x1024xi32>
    %or3A_137 = arith.ori %shift_left3A_133, %shift_right_logical3A_136 : vector<512x1024xi32>
    %xor3A_138 = arith.xori %add3A_130, %or3A_137 : vector<512x1024xi32>
    %add3A_139 = arith.constant 0 : i32
    %add3A_140 = vector.broadcast %add3A_139 : i32 to vector<512x1024xi32>
    %add3A_141 = arith.addi %add3A_130, %add3A_140 : vector<512x1024xi32>
    %add3A_142 = arith.constant 45 : i32
    %add3A_143 = vector.broadcast %add3A_142 : i32 to vector<512x1024xi32>
    %add3A_144 = arith.addi %xor3A_138, %add3A_143 : vector<512x1024xi32>
    %add3A_145 = arith.addi %add3A_141, %add3A_144 : vector<512x1024xi32>
    %shift_left3A_146 = arith.constant 17 : i32
    %shift_left3A_147 = vector.broadcast %shift_left3A_146 : i32 to vector<512x1024xi32>
    %shift_left3A_148 = arith.shli %add3A_144, %shift_left3A_147 : vector<512x1024xi32>
    %shift_right_logical3A_149 = arith.constant 15 : i32
    %shift_right_logical3A_150 = vector.broadcast %shift_right_logical3A_149 : i32 to vector<512x1024xi32>
    %shift_right_logical3A_151 = arith.shrui %add3A_144, %shift_right_logical3A_150 : vector<512x1024xi32>
    %or3A_152 = arith.ori %shift_left3A_148, %shift_right_logical3A_151 : vector<512x1024xi32>
    %xor3A_153 = arith.xori %add3A_145, %or3A_152 : vector<512x1024xi32>
    %add3A_154 = arith.addi %add3A_145, %xor3A_153 : vector<512x1024xi32>
    %shift_left3A_155 = arith.constant 29 : i32
    %shift_left3A_156 = vector.broadcast %shift_left3A_155 : i32 to vector<512x1024xi32>
    %shift_left3A_157 = arith.shli %xor3A_153, %shift_left3A_156 : vector<512x1024xi32>
    %shift_right_logical3A_158 = arith.constant 3 : i32
    %shift_right_logical3A_159 = vector.broadcast %shift_right_logical3A_158 : i32 to vector<512x1024xi32>
    %shift_right_logical3A_160 = arith.shrui %xor3A_153, %shift_right_logical3A_159 : vector<512x1024xi32>
    %or3A_161 = arith.ori %shift_left3A_157, %shift_right_logical3A_160 : vector<512x1024xi32>
    %xor3A_162 = arith.xori %add3A_154, %or3A_161 : vector<512x1024xi32>
    %add3A_163 = arith.addi %add3A_154, %xor3A_162 : vector<512x1024xi32>
    %shift_left3A_164 = arith.constant 16 : i32
    %shift_left3A_165 = vector.broadcast %shift_left3A_164 : i32 to vector<512x1024xi32>
    %shift_left3A_166 = arith.shli %xor3A_162, %shift_left3A_165 : vector<512x1024xi32>
    %shift_right_logical3A_167 = arith.constant 16 : i32
    %shift_right_logical3A_168 = vector.broadcast %shift_right_logical3A_167 : i32 to vector<512x1024xi32>
    %shift_right_logical3A_169 = arith.shrui %xor3A_162, %shift_right_logical3A_168 : vector<512x1024xi32>
    %or3A_170 = arith.ori %shift_left3A_166, %shift_right_logical3A_169 : vector<512x1024xi32>
    %xor3A_171 = arith.xori %add3A_163, %or3A_170 : vector<512x1024xi32>
    %add3A_172 = arith.addi %add3A_163, %xor3A_171 : vector<512x1024xi32>
    %shift_left3A_173 = arith.constant 24 : i32
    %shift_left3A_174 = vector.broadcast %shift_left3A_173 : i32 to vector<512x1024xi32>
    %shift_left3A_175 = arith.shli %xor3A_171, %shift_left3A_174 : vector<512x1024xi32>
    %shift_right_logical3A_176 = arith.constant 8 : i32
    %shift_right_logical3A_177 = vector.broadcast %shift_right_logical3A_176 : i32 to vector<512x1024xi32>
    %shift_right_logical3A_178 = arith.shrui %xor3A_171, %shift_right_logical3A_177 : vector<512x1024xi32>
    %or3A_179 = arith.ori %shift_left3A_175, %shift_right_logical3A_178 : vector<512x1024xi32>
    %xor3A_180 = arith.xori %add3A_172, %or3A_179 : vector<512x1024xi32>
    %add3A_181 = arith.constant 42 : i32
    %add3A_182 = vector.broadcast %add3A_181 : i32 to vector<512x1024xi32>
    %add3A_183 = arith.addi %add3A_172, %add3A_182 : vector<512x1024xi32>
    %add3A_184 = arith.constant 466689012 : i32
    %add3A_185 = vector.broadcast %add3A_184 : i32 to vector<512x1024xi32>
    %add3A_186 = arith.addi %xor3A_180, %add3A_185 : vector<512x1024xi32>
    %add3A_187 = arith.addi %add3A_183, %add3A_186 : vector<512x1024xi32>
    %shift_left3A_188 = arith.constant 13 : i32
    %shift_left3A_189 = vector.broadcast %shift_left3A_188 : i32 to vector<512x1024xi32>
    %shift_left3A_190 = arith.shli %add3A_186, %shift_left3A_189 : vector<512x1024xi32>
    %shift_right_logical3A_191 = arith.constant 19 : i32
    %shift_right_logical3A_192 = vector.broadcast %shift_right_logical3A_191 : i32 to vector<512x1024xi32>
    %shift_right_logical3A_193 = arith.shrui %add3A_186, %shift_right_logical3A_192 : vector<512x1024xi32>
    %or3A_194 = arith.ori %shift_left3A_190, %shift_right_logical3A_193 : vector<512x1024xi32>
    %xor3A_195 = arith.xori %add3A_187, %or3A_194 : vector<512x1024xi32>
    %add3A_196 = arith.addi %add3A_187, %xor3A_195 : vector<512x1024xi32>
    %shift_left3A_197 = arith.constant 15 : i32
    %shift_left3A_198 = vector.broadcast %shift_left3A_197 : i32 to vector<512x1024xi32>
    %shift_left3A_199 = arith.shli %xor3A_195, %shift_left3A_198 : vector<512x1024xi32>
    %shift_right_logical3A_200 = arith.constant 17 : i32
    %shift_right_logical3A_201 = vector.broadcast %shift_right_logical3A_200 : i32 to vector<512x1024xi32>
    %shift_right_logical3A_202 = arith.shrui %xor3A_195, %shift_right_logical3A_201 : vector<512x1024xi32>
    %or3A_203 = arith.ori %shift_left3A_199, %shift_right_logical3A_202 : vector<512x1024xi32>
    %xor3A_204 = arith.xori %add3A_196, %or3A_203 : vector<512x1024xi32>
    %add3A_205 = arith.addi %add3A_196, %xor3A_204 : vector<512x1024xi32>
    %shift_left3A_206 = arith.constant 26 : i32
    %shift_left3A_207 = vector.broadcast %shift_left3A_206 : i32 to vector<512x1024xi32>
    %shift_left3A_208 = arith.shli %xor3A_204, %shift_left3A_207 : vector<512x1024xi32>
    %shift_right_logical3A_209 = arith.constant 6 : i32
    %shift_right_logical3A_210 = vector.broadcast %shift_right_logical3A_209 : i32 to vector<512x1024xi32>
    %shift_right_logical3A_211 = arith.shrui %xor3A_204, %shift_right_logical3A_210 : vector<512x1024xi32>
    %or3A_212 = arith.ori %shift_left3A_208, %shift_right_logical3A_211 : vector<512x1024xi32>
    %xor3A_213 = arith.xori %add3A_205, %or3A_212 : vector<512x1024xi32>
    %add3A_214 = arith.addi %add3A_205, %xor3A_213 : vector<512x1024xi32>
    %shift_left3A_215 = arith.constant 6 : i32
    %shift_left3A_216 = vector.broadcast %shift_left3A_215 : i32 to vector<512x1024xi32>
    %shift_left3A_217 = arith.shli %xor3A_213, %shift_left3A_216 : vector<512x1024xi32>
    %shift_right_logical3A_218 = arith.constant 26 : i32
    %shift_right_logical3A_219 = vector.broadcast %shift_right_logical3A_218 : i32 to vector<512x1024xi32>
    %shift_right_logical3A_220 = arith.shrui %xor3A_213, %shift_right_logical3A_219 : vector<512x1024xi32>
    %or3A_221 = arith.ori %shift_left3A_217, %shift_right_logical3A_220 : vector<512x1024xi32>
    %xor3A_222 = arith.xori %add3A_214, %or3A_221 : vector<512x1024xi32>
    %add3A_223 = arith.constant 466689008 : i32
    %add3A_224 = vector.broadcast %add3A_223 : i32 to vector<512x1024xi32>
    %add3A_225 = arith.addi %add3A_214, %add3A_224 : vector<512x1024xi32>
    %add3A_226 = arith.constant 5 : i32
    %add3A_227 = vector.broadcast %add3A_226 : i32 to vector<512x1024xi32>
    %add3A_228 = arith.addi %xor3A_222, %add3A_227 : vector<512x1024xi32>
    %xor3A_229 = arith.xori %add3A_225, %add3A_228 : vector<512x1024xi32>
    %shift_right_logical3A_230 = arith.constant 9 : i32
    %shift_right_logical3A_231 = vector.broadcast %shift_right_logical3A_230 : i32 to vector<512x1024xi32>
    %shift_right_logical3A_232 = arith.shrui %xor3A_229, %shift_right_logical3A_231 : vector<512x1024xi32>
    %rem3A = arith.constant 4096 : i32
    %rem3A_233 = vector.broadcast %rem3A : i32 to vector<512x1024xi32>
    %rem3A_234 = arith.remsi %add3A_13, %rem3A_233 : vector<512x1024xi32>
    %le3A = arith.constant 419430 : i32
    %le3A_235 = vector.broadcast %le3A : i32 to vector<512x1024xi32>
    %le3A_236 = arith.cmpi ule, %shift_right_logical3A_232, %le3A_235 : vector<512x1024xi32>
    %ne3A = arith.constant 0 : i32
    %ne3A_237 = vector.broadcast %ne3A : i32 to vector<512x1024xi32>
    %ne3A_238 = arith.cmpi ne, %rem3A_234, %ne3A_237 : vector<512x1024xi32>
    %and3A = arith.andi %le3A_236, %ne3A_238 : vector<512x1024xi1>
    %le3A_239 = arith.constant 838860 : i32
    %le3A_240 = vector.broadcast %le3A_239 : i32 to vector<512x1024xi32>
    %le3A_241 = arith.cmpi ule, %shift_right_logical3A_232, %le3A_240 : vector<512x1024xi32>
    %gt3A = arith.constant 419430 : i32
    %gt3A_242 = vector.broadcast %gt3A : i32 to vector<512x1024xi32>
    %gt3A_243 = arith.cmpi ugt, %shift_right_logical3A_232, %gt3A_242 : vector<512x1024xi32>
    %and3A_244 = arith.andi %le3A_241, %gt3A_243 : vector<512x1024xi1>
    %ne3A_245 = arith.constant 4095 : i32
    %ne3A_246 = vector.broadcast %ne3A_245 : i32 to vector<512x1024xi32>
    %ne3A_247 = arith.cmpi ne, %rem3A_234, %ne3A_246 : vector<512x1024xi32>
    %and3A_248 = arith.andi %and3A_244, %ne3A_247 : vector<512x1024xi1>
    %select_n3A = arith.select %and3A_248, %concatenate3A_11, %get3A_3 : vector<512x1024xi1>, vector<512x1024xf32>
    %select_n3A_249 = arith.select %and3A, %concatenate3A, %select_n3A : vector<512x1024xi1>, vector<512x1024xf32>
    %swap3A = arith.constant 0 : index
    %swap3A_250 = arith.constant 0 : index
    %swap3A_251 = vector.load %arg4[%swap3A, %swap3A_250] : memref<512x1024xf32, #tpu.memory_space<vmem>>, vector<512x1024xf32>
    tpu.vector_store %arg4[%swap3A, %swap3A_250], %select_n3A_249 {strides = array<i32>} : memref<512x1024xf32, #tpu.memory_space<vmem>>, vector<512x1024xf32>,
    return
  }
  func.func @transform_0(%arg0: i32) -> (i32, i32) {
    %mul3A = arith.constant 64 : i32
    %mul3A_0 = arith.muli %arg0, %mul3A : i32
    %add3A = arith.constant 512 : i32
    %add3A_1 = arith.addi %add3A, %mul3A_0 : i32
    %sub3A = arith.constant 1 : i32
    %sub3A_2 = arith.subi %add3A_1, %sub3A : i32
    %max3A = arith.constant 0 : i32
    %max3A_3 = arith.maxsi %sub3A_2, %max3A : i32
    %c0_i32 = arith.constant 0 : i32
    %c0_i32_4 = arith.constant 0 : i32
    return %max3A_3, %c0_i32 : i32, i32
  }
  func.func @transform_1(%arg0: i32) -> (i32, i32) {
    %add3A = arith.constant 8 : i32
    %add3A_0 = arith.addi %add3A, %arg0 : i32
    %c0_i32 = arith.constant 0 : i32
    %c0_i32_1 = arith.constant 0 : i32
    return %add3A_0, %c0_i32 : i32, i32
  }
  func.func @transform_2(%arg0: i32) -> (i32, i32) {
    %add3A = arith.constant 1 : i32
    %add3A_0 = arith.addi %arg0, %add3A : i32
    %mul3A = arith.constant 64 : i32
    %mul3A_1 = arith.muli %add3A_0, %mul3A : i32
    %add3A_2 = arith.constant 512 : i32
    %add3A_3 = arith.addi %add3A_2, %mul3A_1 : i32
    %min3A = arith.constant 2047 : i32
    %min3A_4 = arith.minsi %add3A_3, %min3A : i32
    %c0_i32 = arith.constant 0 : i32
    %c0_i32_5 = arith.constant 0 : i32
    return %min3A_4, %c0_i32 : i32, i32
  }
  func.func @transform_3(%arg0: i32) -> (i32, i32) {
    %add3A = arith.constant 8 : i32
    %add3A_0 = arith.addi %add3A, %arg0 : i32
    %c0_i32 = arith.constant 0 : i32
    %c0_i32_1 = arith.constant 0 : i32
    return %add3A_0, %c0_i32 : i32, i32
  }
}

</mosaic_0001>

<sc_bundles>
// kernel: kernel.4.cloned.1.call-start
scs
__scs_entry_jumppad:
0x0: {  	(pc) =	sbr.rel $0x88, $3  }
0x1: {  	(tag) =	ssettag $0x0;
	lr =	simm.s32 $0x1  }
0x2: {  	[smem:$0x3FA0] =	sst lr;
	_ =	strace $0xD0000000  }
0x3: {  	_ = 	snop  }
0x4: {  	_ = 	snop  }
0x5: {  	_ = 	snop  }
0x6: {  	_ = 	snop  }
0x7: {  	_ = 	snop  }
__scs_overlays_trampoline_lowered:
0x8: {  	[smem:$0x3FAF] =	sst s0  }
0x9: {  	[smem:$0x3FB0] =	sst s1  }
0xa: {  	[smem:$0x3FB1] =	sst s2  }
0xb: {  	[smem:$0x3FB2] =	sst s3  }
0xc: {  	[smem:$0x3FB3] =	sst s4  }
0xd: {  	[smem:$0x3FB4] =	sst s5  }
0xe: {  	[smem:$0x3FB5] =	sst s6  }
0xf: {  	[smem:$0x3FB6] =	sst s7  }
0x10: {  	[smem:$0x3FB7] =	sst s8  }
0x11: {  	[smem:$0x3FB8] =	sst s9;
	s0 =	simm.s32 @!p0 $0x0  }
0x12: {  	s1 =	sld [smem:$0x3F9E];
	s0 =	simm.s32 @p0 $0x1  }
0x13: {  	[smem:$0x3FB9] =	sst s0;
	s0 =	simm.s32 @!p1 $0x0  }
0x14: {  	s2 =	sld [smem:$0x3F9D];
	s0 =	simm.s32 @p1 $0x1  }
0x15: {  	[smem:$0x3FBA] =	sst s0;
	s0 =	simm.s32 @!p2 $0x0  }
0x16: {  	s3 =	sld [smem:$0x3FDB];
	s0 =	simm.s32 @p2 $0x1  }
0x17: {  	s4 =	simm.s32 $0x1BF5;
	[smem:$0x3FBC] =	sst s0  }
0x18: {  	s0 =	sld [smem:$0x3F9F];
	_ =	swait.ge [sflag:s4], $0x0  }
0x19: {  	s7 =	sld [smem:$0x3FA0]  }
0x1a: {  	s8 =	sadd.s32 $0xFFFFE003, lr  }
0x1b: {  	s9 =	sadd.s32 $0xFFFFFEF7, lr;
	s5 =	simm.s32 $0xFFFFFFFF;
	p2 =	slt.u32 s8, $0xFFFFF086  }
0x1c: {  	p1 =	slt.u32 s9, $0xF7A;
	s5 =	simm.s32 @!p2 $0x0  }
0x1d: {  	s5 =	simm.s32 @p1 $0x1;
	p0 =	seq.s32 s7, s2  }
0x1e: {  	s7 =	smul.u32 @!p0 $0xF7A, s2;
	p2 =	seq.s32 @!p0 s5, $0x0  }
0x1f: {  	s9 =	smul.u32 $0xF7A, s1;
	s8 =	simm.s32 @!p0 $0x1BF5;
	p2 =	por !p2, p0  }
0x20: {  	[sflag:s8] =	ssyncset.s32 @!p0 $0xFFFFF086;
	s6 =	sadd.s32 @!p0 s3, s7;
	s7 =	simm.s32 @!p0 $0x108  }
0x21: {  	s3 =	sadd.s32 s3, s9;
	s6 =	sadd.s32 @!p0 $0x88, s6;
	s7 =	simm.s32 @p2 $0x1082  }
0x22: {  	[simem:s7], [sflag:s8] =	dma.local @!p0 [hbm:s6], $0xF7A  }
0x23: {  	s9 =	sor.u32 $0xD0000000, s2;
	s6 =	simm.s32 $0x108;
	_ =	swait.ge @!p0 [sflag:s8], $0x0  }
0x24: {  	s3 =	sadd.s32 $0x88, s3;
	s6 =	simm.s32 @!p1 $0x1082;
	[sflag:s4] =	ssyncset.s32 $0xFFFFF086  }
0x25: {  	[simem:s6], [sflag:s4] =	dma.local [hbm:s3], $0xF7A  }
0x26: {  	[smem:$0x3FA0] =	sst s1;
	(tag) =	ssettag s2;
	_ =	strace s9  }
0x27: {  	s1 =	sld [smem:$0x3FB0]  }
0x28: {  	s2 =	sld [smem:$0x3FB1]  }
0x29: {  	s4 =	sld [smem:$0x3FB3]  }
0x2a: {  	p0 =	seq.s32 s5, $0x0;
	s5 =	sld [smem:$0x3FB4]  }
0x2b: {  	s6 =	sld [smem:$0x3FB5]  }
0x2c: {  	s7 =	sld [smem:$0x3FB6]  }
0x2d: {  	s3 =	simm.s32 $0x108;
	s8 =	sld [smem:$0x3FB7]  }
0x2e: {  	s3 =	simm.s32 @!p0 $0x1082;
	s9 =	sld [smem:$0x3FB8]  }
0x2f: {  	lr =	sadd.s32 s0, s3;
	s0 =	sld [smem:$0x3FAF]  }
0x30: {  	s3 =	sld [smem:$0x3FB2]  }
0x31: {  	[smem:$0x3FBB] =	sst s10  }
0x32: {  	s10 =	sld [smem:$0x3FB9];
	_ =	sdelay $0x3  }
0x33: {  	p0 =	seq.s32 s10, $0x1;
	s10 =	sld [smem:$0x3FBB];
	_ =	sdelay $0x3  }
0x34: {  	[smem:$0x3FBB] =	sst s10  }
0x35: {  	s10 =	sld [smem:$0x3FBA];
	_ =	sdelay $0x3  }
0x36: {  	p1 =	seq.s32 s10, $0x1;
	s10 =	sld [smem:$0x3FBB];
	_ =	sdelay $0x3  }
0x37: {  	[smem:$0x3FBB] =	sst s10  }
0x38: {  	s10 =	sld [smem:$0x3FBC]  }
0x39: {  	_ = 	snop;
	(pc) =	sbr.ind lr, $3  }
0x3a: {  	_ = 	snop  }
0x3b: {  	_ = 	snop  }
0x3c: {  	p2 =	seq.s32 s10, $0x1;
	s10 =	sld [smem:$0x3FBB]  }
0x3d: {  	_ =	shalt  }
0x3e: {  	_ =	shalt  }
0x3f: {  	_ =	shalt  }
0x40: {  	_ =	shalt  }
0x41: {  	_ =	shalt  }
0x42: {  	_ =	shalt  }
0x43: {  	_ =	shalt  }
0x44: {  	_ =	shalt  }
0x45: {  	_ =	shalt  }
0x46: {  	_ =	shalt  }
0x47: {  	_ =	shalt  }
0x48: {  	_ =	shalt  }
0x49: {  	_ =	shalt  }
0x4a: {  	_ =	shalt  }
0x4b: {  	_ =	shalt  }
0x4c: {  	_ =	shalt  }
0x4d: {  	_ =	shalt  }
0x4e: {  	_ =	shalt  }
0x4f: {  	_ =	shalt  }
0x50: {  	_ =	shalt  }
0x51: {  	_ =	shalt  }
0x52: {  	_ =	shalt  }
0x53: {  	_ =	shalt  }
0x54: {  	_ =	shalt  }
0x55: {  	_ =	shalt  }
0x56: {  	_ =	shalt  }
0x57: {  	_ =	shalt  }
0x58: {  	_ =	shalt  }
0x59: {  	_ =	shalt  }
0x5a: {  	_ =	shalt  }
0x5b: {  	_ =	shalt  }
0x5c: {  	_ =	shalt  }
0x5d: {  	_ =	shalt  }
0x5e: {  	_ =	shalt  }
0x5f: {  	_ =	shalt  }
0x60: {  	_ =	shalt  }
0x61: {  	_ =	shalt  }
0x62: {  	_ =	shalt  }
0x63: {  	_ =	shalt  }
0x64: {  	_ =	shalt  }
0x65: {  	_ =	shalt  }
0x66: {  	_ =	shalt  }
0x67: {  	_ =	shalt  }
0x68: {  	_ =	shalt  }
0x69: {  	_ =	shalt  }
0x6a: {  	_ =	shalt  }
0x6b: {  	_ =	shalt  }
0x6c: {  	_ =	shalt  }
0x6d: {  	_ =	shalt  }
0x6e: {  	_ =	shalt  }
0x6f: {  	_ =	shalt  }
0x70: {  	_ =	shalt  }
0x71: {  	_ =	shalt  }
0x72: {  	_ =	shalt  }
0x73: {  	_ =	shalt  }
0x74: {  	_ =	shalt  }
0x75: {  	_ =	shalt  }
0x76: {  	_ =	shalt  }
0x77: {  	_ =	shalt  }
0x78: {  	_ =	shalt  }
0x79: {  	_ =	shalt  }
0x7a: {  	_ =	shalt  }
0x7b: {  	_ =	shalt  }
0x7c: {  	_ =	shalt  }
0x7d: {  	_ =	shalt  }
0x7e: {  	_ =	shalt  }
0x7f: {  	_ =	shalt  }
0x80: {  	_ =	shalt  }
0x81: {  	_ =	shalt  }
0x82: {  	_ =	shalt  }
0x83: {  	_ =	shalt  }
0x84: {  	_ =	shalt  }
0x85: {  	_ =	shalt  }
0x86: {  	_ =	shalt  }
0x87: {  	_ =	shalt  }
.Lfunc_end0:
.L_simem_size_0:
called_computation_lowered:
.L_overlay_start_0:
0x88: {  	s2 =	sld [smem:$0x3FD9]  }
0x89: {  	s3 =	sld [smem:$0x3FFE];
	_ =	sdelay $0x1  }
0x8a: {  	s1 =	srdreg.scid  }
0x8b: {  	s0 =	sand.u32 $0x1, s1  }
0x8c: {  	s16 =	sshll.u32 s0, $0xA;
	s2 =	sadd.s32 s3, s2  }
0x8d: {  	s2 =	sadd.s32 s2, s16  }
0x8e: {  	[smem:$0x3FC7] =	sst s2  }
0x8f: {  	_ = 	snop  }
0x90: {  	(tm) =	ssettm $0x1  }
0x91: {  	s17 =	sld [smem:$0x3FFB];
	_ =	sdelay $0x3  }
0x92: {  	_ =	strace s17  }
0x93: {  	s2 =	sld [smem:$0x3FFC];
	_ =	sdelay $0x3  }
0x94: {  	_ =	strace s2  }
0x95: {  	s2 =	sld [smem:$0x3FFD];
	_ =	sdelay $0x3  }
0x96: {  	_ =	strace s2  }
0x97: {  	_ =	strace $0x8FFFFFFF  }
0x98: {  	s18 =	sld [smem:$0x3FDB];
	_ =	sdelay $0x1  }
0x99: {  	s19 =	simm.s32 $_scs_section_size  }
0x9a: {  	s4 =	simm.s32 $_size__tile_overlayer_lowered;
	s5 =	simm.s32 $_tile_overlayer_lowered  }
0x9b: {  	s22 =	simm.s32 $0x1BFF;
	s21 =	sshll.u32 s5, $0x1;
	s2 =	sadd.s32 s19, s18  }
0x9c: {  	s6 =	simm.s32 $0x0;
	s20 =	sshll.u32 s4, $0x1;
	s4 =	sadd.s32 s21, s2  }
0x9d: {  	[timem:s6], [sflag:s22] =	dma.local [hbm:s4], s20  }
0x9e: {  	_ =	swait.ge [sflag:s22], s20  }
0x9f: {  	s3 =	ssub.s32 $0x0, s20;
	[sflag:s22] =	ssyncset.done $0x0  }
0xa0: {  	[sflag:s22] =	ssyncadd.s32 s3;
	_ =	sdelay $0x1  }
0xa1: {  	s23 =	simm.s32 $0x1B8B  }
0xa2: {  	_ =	swait.ge [sflag:s23], $0x1  }
0xa3: {  	[sflag:s23] =	ssyncset.done $0x0  }
0xa4: {  	s25 =	simm.s32 $0x1B8E;
	s24 =	sld [smem:$0x3FFE];
	[sflag:s23] =	ssyncadd.s32 $0xFFFFFFFF  }
0xa5: {  	s26 =	simm.s32 $execute0_lowered;
	[smem:$0x3FD2] =	sst s25  }
0xa6: {  	s4 =	sshll.u32 s26, $0x1;
	_ =	strace $0x80000046;
	[dreg:$0x1] =	wrdreg $0xFFFFFFFF  }
0xa7: {  	s28 =	simm.s32 $_size_execute0_lowered;
	s2 =	sadd.s32 s2, s4;
	[dreg:$0x0] =	wrdreg $0x0  }
0xa8: {  	s4 =	sshll.u32 s28, $0x1;
	[dreg:$0x2] =	wrdreg s2  }
0xa9: {  	[dreg:$0x3] =	wrdreg s4  }
0xaa: {  	[dreg:$0x4] =	wrdreg $0xC0  }
0xab: {  	_ =	task [dreg:s6], $0x5FFFF  }
0xac: {  	[dreg:$0x1] =	wrdreg $0xFFFFFFFF  }
0xad: {  	[dreg:$0x0] =	wrdreg $0x60  }
0xae: {  	[dreg:$0x2] =	wrdreg s24  }
0xaf: {  	[dreg:$0x3] =	wrdreg $0x9  }
0xb0: {  	_ =	task.clear_ibuf [dreg:s6], $0x4FFFF;
	_ =	strace $0x90000046  }
0xb1: {  	s29 =	simm.s32 $0x9;
	_ =	strace $0x80000048  }
0xb2: {  	_ =	swait.ge [sflag:s29], $0x1  }
0xb3: {  	[sflag:s29] =	ssyncadd.s32 $0xFFFFFFFF  }
0xb4: {  	_ =	strace $0x90000048  }
0xb5: {  	_ =	sfence  }
0xb6: {  	s30 =	sld [smem:$0x0];
	_ =	sdelay $0x2  }
0xb7: {  	s31 =	sshll.u32 s1, $0xD;
	s1 =	sshrl.u32 s1, $0x2  }
0xb8: {  	s3 =	sand.u32 $0x4000, s31;
	s1 =	sadd.s32 s1, s30  }
0xb9: {  	s0 =	sor.u32 s3, s0;
	s1 =	sshll.u32 s1, $0x11  }
0xba: {  	s0 =	sor.u32 s1, s0  }
0xbb: {  	s0 =	sadd.s32 $0x8F2B, s0  }
0xbc: {  	[sflag:s0] =	ssyncadd.remote.s32 $0x1  }
0xbd: {  	_ =	sfence.sel $0xFFFF  }
0xbe: {  	[dreg:$0x0] =	wrdreg $0xFFFFFFFF;
	(pc) =	sbr.abs _section_cstart, $3  }
0xbf: {  	[dreg:$0x1] =	wrdreg $0xFFFFFFFF  }
0xc0: {  	_ =	task.clear_ibuf [dreg:s6], $0x2FFFF;
	_ =	strace $0x9FFFFFFF  }
0xc1: {  	(tm) =	ssettm $0x7FFFFFFF  }
tec
execute0_lowered:
.L_overlay_start_1:
0x0: {  	(tag) =	ssettag $0x1  }
0x1: {  	s0 =	rddreg [dreg:$0x0];
	s1 =	simm.s32 $0x0;
	s2 =	srdreg.scid  }
0x2: {  	s7 =	stileid.u32;
	s9 =	simm.s32 $0x1;
	s10 =	simm.s32 $0x8800  }
0x3: {  	s11 =	simm.s32 $0x8400;
	s12 =	simm.s32 $0x0;
	s2 =	sand.u32 $0x1, s2  }
0x4: {  	s30 =	simm.s32 $0x40;
	[smem:$0x7FF] =	sst s1;
	s5 =	ssub.s32 $0x2, s2  }
0x5: {  	s3 =	sadd.s32 $0x400, s0;
	s4 =	sadd.s32 $0x80400, s0;
	s6 =	sshrl.u32 s5, $0x1  }
0x6: {  	s7 =	sshll.u32 s7, $0x8;
	s2 =	sshll.u32 s2, $0x7;
	s8 =	ssub.s32 s5, s6  }
0x7: {  	v0 =	vlaneseq.u32;
	_ =	strace $0x80000047;
	s5 =	sor.u32 s2, s7;
	s31 =	smax.u32 s8, $0x1  }
0x8: {  	v0 =	vadd.s32 $0x2A, v0;
	s6 =	sadd.s32 $0x1380, s0;
	s8 =	simm.s32 $0x400;
	[dreg:$0x2] =	wrdreg s31  }
.LBB2_1:
0x9: {  	s13 =	simm.s32 $0x0  }
.LBB2_2:
0xa: {  	s0 =	sshll.u32 s13, $0x5  }
0xb: {  	s14 =	sadd.s32 s5, s0  }
0xc: {  	p0 =	sne.s32 s14, $0x0  }
.Ltmp0:
0xd: {  	_ = 	snop;
	(pc) =	sbr.rel @!p0 .LBB2_3-.Ltmp0, $4  }
0xe: {  	_ = 	snop  }
0xf: {  	s0 =	sadd.s32 $0x20, s14  }
0x10: {  	s0 =	sand.u32 $0xFE0, s0  }
0x11: {  	p1 =	sne.s32 s0, $0x0  }
.Ltmp1:
0x12: {  	(pc) =	sbr.rel @p1 .LBB2_7-.Ltmp1, $1  }
0x13: {  	_ =	sdelay $0x3  }
0x14: {  	s0 =	sshll.u32 s14, $0xA  }
0x15: {  	s0 =	sadd.s32 $0xFFFFFC00, s0  }
0x16: {  	s0 =	sshrl.u32 s0, $0x3  }
0x17: {  	s0 =	sadd.s32 s3, s0  }
0x18: {  	[tilespmem:s1], [sflag:$0x1] =	stream.linear.gather [hbm4b:s0+s1], $0x8400, $0x38;
	[tilespmem:$0x10800] =	vst v63  }
.Ltmp2:
0x19: {  	_ = 	snop;
	(pc) =	sbr.rel .LBB2_6-.Ltmp2, $4  }
0x1a: {  	_ =	swait.ge [sflag:s9], $0x8400  }
0x1b: {  	s31 =	sshll.u32 s14, $0x7;
	[sflag:s9] =	ssyncset.done $0x0  }
0x1c: {  	s0 =	sadd.s32 s31, s6;
	[sflag:s9] =	ssyncadd.s32 $0xFFFF7C00  }
0x1d: {  	[tilespmem:s11], [sflag:$0x1] =	stream.linear.gather [hbm4b:s0+s1], $0x400, $0x38;
	[tilespmem:$0x10800] =	vst v63  }
.LBB2_3:
0x1e: {  	[tilespmem:s8], [sflag:$0x1] =	stream.linear.gather [hbm4b:s3+s1], $0x8400, $0x38;
	[tilespmem:$0x10800] =	vst v63  }
0x1f: {  	_ =	swait.ge [sflag:s9], $0x8400  }
0x20: {  	[sflag:s9] =	ssyncset.done $0x0  }
0x21: {  	[sflag:s9] =	ssyncadd.s32 $0xFFFF7C00  }
0x22: {  	[tilespmem:s1], [sflag:$0x1] =	stream.linear.gather [hbm4b:s3+s1], $0x400, $0x38;
	[tilespmem:$0x10800] =	vst v63  }
.LBB2_6:
0x23: {  	_ =	swait.ge [sflag:s9], $0x400  }
0x24: {  	[sflag:s9] =	ssyncset.done $0x0  }
0x25: {  	[sflag:s9] =	ssyncadd.s32 $0xFFFFFC00  }
.LBB2_7:
0x26: {  	p0 =	por !p0, !p1;
	s0 =	simm.s32 $0x0;
	s2 =	simm.s32 $0x0  }
0x27: {  	p0 =	por !p0, !p0;
	s20 =	sand.u32 $0x3E0, s0;
	s15 =	sand.u32 $0xFFFFFC00, s2  }
0x28: {  	s17 =	sshll.u32 @p0 s14, $0xA;
	s16 =	sshll.u32 @!p0 s14, $0xA;
	s0 =	sor.u32 $0x10, s20  }
0x29: {  	s16 =	smov.u32 @p0 s17;
	s18 =	sor.u32 s15, s0  }
0x2a: {  	s15 =	sor.u32 s20, s15;
	s19 =	sor.u32 s16, s18  }
0x2b: {  	s21 =	sor.u32 s16, s15;
	v1 =	vadd.s32 s19, v0  }
0x2c: {  	v2 =	vadd.s32 s21, v0;
	v3 =	vshrl.u32 v1, $0x13;
	v4 =	vshll.u32 v1, $0xD  }
0x2d: {  	v5 =	vshrl.u32 v2, $0x13;
	v6 =	vshll.u32 v2, $0xD;
	v3 =	vor.u32 v3, v4  }
0x2e: {  	v4 =	vor.u32 v5, v6;
	v3 =	vxor.u32 v1, v3  }
0x2f: {  	v4 =	vxor.u32 v2, v4;
	v5 =	vshrl.u32 v3, $0x11;
	v6 =	vshll.u32 v3, $0xF  }
0x30: {  	v7 =	vshrl.u32 v4, $0x11;
	v1 =	vadd.s32 v1, v3;
	v3 =	vor.u32 v5, v6  }
0x31: {  	v2 =	vadd.s32 v2, v4;
	v4 =	vshll.u32 v4, $0xF;
	v3 =	vxor.u32 v3, v1  }
0x32: {  	v4 =	vor.u32 v7, v4;
	v5 =	vshrl.u32 v3, $0x6;
	v6 =	vshll.u32 v3, $0x1A  }
0x33: {  	v4 =	vxor.u32 v4, v2;
	v1 =	vadd.s32 v1, v3;
	v3 =	vor.u32 v5, v6  }
0x34: {  	v5 =	vshrl.u32 v4, $0x6;
	v6 =	vshll.u32 v4, $0x1A;
	v3 =	vxor.u32 v3, v1  }
0x35: {  	v5 =	vor.u32 v5, v6;
	v6 =	vshrl.u32 v3, $0x1A;
	v7 =	vshll.u32 v3, $0x6  }
0x36: {  	v1 =	vadd.s32 v1, v3;
	v3 =	vor.u32 v6, v7  }
0x37: {  	v2 =	vadd.s32 v2, v4;
	v3 =	vxor.u32 v3, v1  }
0x38: {  	v4 =	vxor.u32 v5, v2;
	v3 =	vadd.s32 $0x1BD11BF1, v3  }
0x39: {  	v1 =	vadd.s32 v3, v1;
	v6 =	vshrl.u32 v3, $0xF;
	v3 =	vshll.u32 v3, $0x11  }
0x3a: {  	v5 =	vshrl.u32 v4, $0x1A;
	v1 =	vadd.s32 $0x2A, v1;
	v3 =	vor.u32 v6, v3  }
0x3b: {  	v7 =	vshll.u32 v4, $0x6;
	v2 =	vadd.s32 v2, v4;
	v3 =	vxor.u32 v3, v1  }
0x3c: {  	v5 =	vor.u32 v5, v7;
	v4 =	vshrl.u32 v3, $0x3;
	v6 =	vshll.u32 v3, $0x1D  }
0x3d: {  	v5 =	vxor.u32 v5, v2;
	v1 =	vadd.s32 v1, v3;
	v3 =	vor.u32 v4, v6  }
0x3e: {  	v4 =	vadd.s32 $0x1BD11BF1, v5;
	v3 =	vxor.u32 v3, v1  }
0x3f: {  	v2 =	vadd.s32 v4, v2;
	v5 =	vshrl.u32 v3, $0x10;
	v6 =	vshll.u32 v3, $0x10  }
0x40: {  	v7 =	vshrl.u32 v4, $0xF;
	v1 =	vadd.s32 v1, v3;
	v3 =	vor.u32 v5, v6  }
0x41: {  	v4 =	vshll.u32 v4, $0x11;
	v2 =	vadd.s32 $0x2A, v2;
	v3 =	vxor.u32 v3, v1  }
0x42: {  	v4 =	vor.u32 v7, v4;
	v5 =	vshrl.u32 v3, $0x8;
	v6 =	vshll.u32 v3, $0x18  }
0x43: {  	v4 =	vxor.u32 v4, v2;
	v1 =	vadd.s32 v1, v3;
	v3 =	vor.u32 v5, v6  }
0x44: {  	v5 =	vshrl.u32 v4, $0x3;
	v6 =	vshll.u32 v4, $0x1D;
	v3 =	vxor.u32 v3, v1  }
0x45: {  	v2 =	vadd.s32 v2, v4;
	v4 =	vor.u32 v5, v6;
	v3 =	vadd.s32 $0x2, v3  }
0x46: {  	v1 =	vadd.s32 v3, v1;
	v5 =	vshrl.u32 v3, $0x13;
	v3 =	vshll.u32 v3, $0xD  }
0x47: {  	v4 =	vxor.u32 v4, v2;
	v1 =	vadd.s32 $0x1BD11BF0, v1;
	v3 =	vor.u32 v5, v3  }
0x48: {  	v6 =	vshll.u32 v4, $0x10;
	v5 =	vshrl.u32 v4, $0x10;
	v3 =	vxor.u32 v3, v1  }
0x49: {  	v5 =	vor.u32 v5, v6;
	v6 =	vshrl.u32 v3, $0x11;
	v7 =	vshll.u32 v3, $0xF  }
0x4a: {  	v2 =	vadd.s32 v2, v4;
	v1 =	vadd.s32 v1, v3;
	v3 =	vor.u32 v6, v7  }
0x4b: {  	v4 =	vxor.u32 v5, v2;
	v3 =	vxor.u32 v3, v1  }
0x4c: {  	v5 =	vshrl.u32 v4, $0x8;
	v6 =	vshrl.u32 v3, $0x6;
	v7 =	vshll.u32 v3, $0x1A  }
0x4d: {  	v8 =	vshll.u32 v4, $0x18;
	v1 =	vadd.s32 v1, v3;
	v3 =	vor.u32 v6, v7  }
0x4e: {  	v2 =	vadd.s32 v2, v4;
	v4 =	vor.u32 v5, v8;
	v3 =	vxor.u32 v3, v1  }
0x4f: {  	v4 =	vxor.u32 v4, v2;
	v5 =	vshrl.u32 v3, $0x1A;
	v6 =	vshll.u32 v3, $0x6  }
0x50: {  	v4 =	vadd.s32 $0x2, v4;
	v1 =	vadd.s32 v1, v3;
	v3 =	vor.u32 v5, v6  }
0x51: {  	v2 =	vadd.s32 v4, v2;
	v3 =	vxor.u32 v3, v1  }
0x52: {  	v2 =	vadd.s32 $0x1BD11BF0, v2;
	v5 =	vshrl.u32 v4, $0x13;
	v3 =	vadd.s32 $0x2D, v3  }
0x53: {  	v4 =	vshll.u32 v4, $0xD;
	v6 =	vshrl.u32 v3, $0xF;
	v7 =	vshll.u32 v3, $0x11  }
0x54: {  	v4 =	vor.u32 v5, v4;
	v1 =	vadd.s32 v1, v3;
	v3 =	vor.u32 v6, v7  }
0x55: {  	v4 =	vxor.u32 v4, v2;
	v3 =	vxor.u32 v3, v1  }
0x56: {  	v5 =	vshrl.u32 v4, $0x11;
	v6 =	vshrl.u32 v3, $0x3;
	v7 =	vshll.u32 v3, $0x1D  }
0x57: {  	v8 =	vshll.u32 v4, $0xF;
	v1 =	vadd.s32 v1, v3;
	v3 =	vor.u32 v6, v7  }
0x58: {  	v2 =	vadd.s32 v2, v4;
	v5 =	vor.u32 v5, v8;
	v3 =	vxor.u32 v3, v1  }
0x59: {  	v4 =	vxor.u32 v5, v2;
	v5 =	vshrl.u32 v3, $0x10;
	v6 =	vshll.u32 v3, $0x10  }
0x5a: {  	v2 =	vadd.s32 v2, v4;
	v1 =	vadd.s32 v1, v3;
	v3 =	vor.u32 v5, v6  }
0x5b: {  	v7 =	vshrl.u32 v4, $0x6;
	v5 =	vshll.u32 v4, $0x1A;
	v3 =	vxor.u32 v3, v1  }
0x5c: {  	v4 =	vor.u32 v7, v5;
	v5 =	vshrl.u32 v3, $0x8;
	v6 =	vshll.u32 v3, $0x18  }
0x5d: {  	v4 =	vxor.u32 v4, v2;
	v1 =	vadd.s32 v1, v3;
	v3 =	vor.u32 v5, v6  }
0x5e: {  	v5 =	vshrl.u32 v4, $0x1A;
	v6 =	vshll.u32 v4, $0x6;
	v3 =	vxor.u32 v3, v1  }
0x5f: {  	v2 =	vadd.s32 v2, v4;
	v4 =	vor.u32 v5, v6;
	v3 =	vadd.s32 $0x1BD11BF4, v3  }
0x60: {  	v1 =	vadd.s32 v3, v1;
	v5 =	vshrl.u32 v3, $0x13;
	v3 =	vshll.u32 v3, $0xD  }
0x61: {  	v1 =	vadd.s32 $0x2A, v1;
	v3 =	vor.u32 v5, v3  }
0x62: {  	s17 =	sadd.s32 @p0 $0xFFFFFC00, s17;
	v4 =	vxor.u32 v4, v2;
	v3 =	vxor.u32 v3, v1  }
0x63: {  	s17 =	sshrl.u32 @p0 s17, $0x3;
	v4 =	vadd.s32 $0x2D, v4;
	v6 =	vshrl.u32 v3, $0x11;
	v7 =	vshll.u32 v3, $0xF  }
0x64: {  	s17 =	sadd.s32 @p0 s3, s17;
	s19 =	simm.s32 @p0 $0x0;
	v5 =	vshrl.u32 v4, $0xF;
	v1 =	vadd.s32 v1, v3;
	v3 =	vor.u32 v6, v7  }
0x65: {  	[tilespmem:s19], [sflag:$0x1] =	stream.linear.gather @p0 [hbm4b:s17+s19], $0x8800, $0x38;
	v8 =	vshll.u32 v4, $0x11;
	v2 =	vadd.s32 v2, v4;
	v3 =	vxor.u32 v3, v1;
	[tilespmem:$0x10800] =	vst v63  }
0x66: {  	s17 =	simm.s32 @p0 $0x1;
	v4 =	vor.u32 v5, v8;
	v5 =	vshrl.u32 v3, $0x6;
	v6 =	vshll.u32 v3, $0x1A  }
0x67: {  	_ =	swait.ge @p0 [sflag:s17], $0x8800;
	v4 =	vxor.u32 v4, v2;
	v1 =	vadd.s32 v1, v3;
	v3 =	vor.u32 v5, v6  }
0x68: {  	s2 =	sand.u32 $0x3FFFFC00, s2;
	[sflag:s17] =	ssyncset.done @p0 $0x0;
	v7 =	vshrl.u32 v4, $0x3;
	v5 =	vshll.u32 v4, $0x1D;
	v3 =	vxor.u32 v3, v1  }
0x69: {  	s24 =	sadd.s32 $0x800, s2;
	[sflag:s17] =	ssyncadd.s32 @p0 $0xFFFF7800;
	v2 =	vadd.s32 v2, v4;
	v4 =	vor.u32 v7, v5;
	v5 =	vshrl.u32 v3, $0x1A  }
0x6a: {  	s25 =	sadd.s32 $0x400, s2;
	s31 =	sor.u32 s0, s24;
	v7 =	vld [tilespmem:s18+$0x0];
	v6 =	vshll.u32 v3, $0x6;
	v4 =	vxor.u32 v4, v2;
	v1 =	vadd.s32 v1, v3  }
0x6b: {  	s0 =	sor.u32 s0, s25;
	v3 =	vshrl.u32 v4, $0x10;
	v8 =	vshll.u32 v4, $0x10;
	v5 =	vor.u32 v5, v6;
	v6 =	vld [tilespmem:s31+$0x0]  }
0x6c: {  	s2 =	simm.s32 $0x20;
	v9 =	vld [tilespmem:s0+$0x0];
	v2 =	vadd.s32 v2, v4;
	v3 =	vor.u32 v3, v8;
	v4 =	vxor.u32 v5, v1  }
0x6d: {  	s7 =	simm.s32 $0x20;
	s23 =	sand.u32 $0x3E0, s2;
	v1 =	vadd.s32 $0x1BD11BF0, v1;
	v3 =	vxor.u32 v3, v2;
	v4 =	vadd.s32 $0x5, v4  }
0x6e: {  	s28 =	sand.u32 $0xFFFFFC00, s7;
	s2 =	sor.u32 $0x10, s23;
	v5 =	vshrl.u32 v3, $0x8;
	v8 =	vshll.u32 v3, $0x18;
	v1 =	vxor.u32 v1, v4  }
0x6f: {  	s22 =	sor.u32 s28, s2;
	v2 =	vadd.s32 v2, v3;
	v3 =	vor.u32 v5, v8;
	vm0 =	vlt.u32 v1, $0xCCCCE00  }
0x70: {  	s29 =	sor.u32 s16, s22;
	v3 =	vxor.u32 v3, v2;
	v4 =	vsel vm0, v7, v6;
	vm0 =	vlt.u32 v1, $0x19999A00  }
0x71: {  	v3 =	vadd.s32 $0x1BD11BF4, v3;
	v1 =	vsel vm0, v4, v9;
	v4 =	vadd.s32 s29, v0  }
0x72: {  	s17 =	sor.u32 s23, s28;
	v2 =	vadd.s32 v3, v2;
	v5 =	vshrl.u32 v3, $0x13;
	v3 =	vshll.u32 v3, $0xD  }
0x73: {  	s31 =	sor.u32 s16, s17;
	v6 =	vshrl.u32 v4, $0x13;
	v7 =	vshll.u32 v4, $0xD;
	v2 =	vadd.s32 $0x2A, v2  }
0x74: {  	v3 =	vor.u32 v5, v3;
	v5 =	vadd.s32 s31, v0;
	v6 =	vor.u32 v6, v7  }
0x75: {  	v3 =	vxor.u32 v3, v2;
	v8 =	vshrl.u32 v5, $0x13;
	v9 =	vshll.u32 v5, $0xD  }
0x76: {  	v6 =	vxor.u32 v4, v6;
	v7 =	vshrl.u32 v3, $0x11;
	v8 =	vor.u32 v8, v9  }
0x77: {  	v9 =	vshrl.u32 v6, $0x11;
	v10 =	vshll.u32 v6, $0xF;
	v8 =	vxor.u32 v5, v8  }
0x78: {  	v4 =	vadd.s32 v4, v6;
	v6 =	vor.u32 v9, v10;
	v11 =	vshrl.u32 v8, $0x11  }
0x79: {  	v5 =	vadd.s32 v5, v8;
	v8 =	vshll.u32 v8, $0xF;
	v6 =	vxor.u32 v6, v4  }
0x7a: {  	v2 =	vadd.s32 v2, v3;
	v8 =	vor.u32 v11, v8;
	v9 =	vshrl.u32 v6, $0x6  }
0x7b: {  	v10 =	vshll.u32 v6, $0x1A;
	v4 =	vadd.s32 v4, v6;
	v8 =	vxor.u32 v8, v5  }
0x7c: {  	v6 =	vor.u32 v9, v10;
	v9 =	vshrl.u32 v8, $0x6;
	v10 =	vshll.u32 v8, $0x1A  }
0x7d: {  	v6 =	vxor.u32 v6, v4;
	v5 =	vadd.s32 v5, v8;
	v8 =	vshll.u32 v3, $0xF  }
0x7e: {  	v9 =	vor.u32 v9, v10;
	v10 =	vshrl.u32 v6, $0x1A;
	v11 =	vshll.u32 v6, $0x6  }
0x7f: {  	v4 =	vadd.s32 v4, v6;
	v6 =	vor.u32 v10, v11;
	v9 =	vxor.u32 v9, v5  }
0x80: {  	v7 =	vor.u32 v7, v8;
	v6 =	vxor.u32 v6, v4;
	v8 =	vshrl.u32 v9, $0x1A  }
0x81: {  	v11 =	vshll.u32 v9, $0x6;
	v5 =	vadd.s32 v5, v9;
	v6 =	vadd.s32 $0x1BD11BF1, v6  }
0x82: {  	v4 =	vadd.s32 v6, v4;
	v10 =	vshrl.u32 v6, $0xF;
	v6 =	vshll.u32 v6, $0x11  }
0x83: {  	v3 =	vor.u32 v8, v11;
	v4 =	vadd.s32 $0x2A, v4;
	v6 =	vor.u32 v10, v6  }
0x84: {  	v3 =	vxor.u32 v3, v5;
	v6 =	vxor.u32 v6, v4  }
0x85: {  	v3 =	vadd.s32 $0x1BD11BF1, v3;
	v8 =	vshrl.u32 v6, $0x3;
	v9 =	vshll.u32 v6, $0x1D  }
0x86: {  	v5 =	vadd.s32 v3, v5;
	v4 =	vadd.s32 v4, v6;
	v6 =	vor.u32 v8, v9  }
0x87: {  	v10 =	vshrl.u32 v3, $0xF;
	v3 =	vshll.u32 v3, $0x11;
	v6 =	vxor.u32 v6, v4  }
0x88: {  	v5 =	vadd.s32 $0x2A, v5;
	v8 =	vshrl.u32 v6, $0x10;
	v9 =	vshll.u32 v6, $0x10  }
0x89: {  	v3 =	vor.u32 v10, v3;
	v4 =	vadd.s32 v4, v6;
	v6 =	vor.u32 v8, v9  }
0x8a: {  	v7 =	vxor.u32 v7, v2;
	v3 =	vxor.u32 v3, v5;
	v6 =	vxor.u32 v6, v4  }
0x8b: {  	v8 =	vshrl.u32 v6, $0x8;
	v9 =	vshll.u32 v6, $0x18;
	v4 =	vadd.s32 v4, v6  }
0x8c: {  	v6 =	vor.u32 v8, v9;
	v8 =	vshrl.u32 v3, $0x3;
	v9 =	vshll.u32 v3, $0x1D  }
0x8d: {  	v3 =	vadd.s32 v5, v3;
	v6 =	vxor.u32 v6, v4;
	v5 =	vor.u32 v8, v9  }
0x8e: {  	v2 =	vadd.s32 v2, v7;
	v6 =	vadd.s32 $0x2, v6;
	v5 =	vxor.u32 v5, v3  }
0x8f: {  	v4 =	vadd.s32 v6, v4;
	v8 =	vshrl.u32 v6, $0x13;
	v6 =	vshll.u32 v6, $0xD  }
0x90: {  	v9 =	vshll.u32 v5, $0x10;
	v4 =	vadd.s32 $0x1BD11BF0, v4;
	v6 =	vor.u32 v8, v6  }
0x91: {  	v3 =	vadd.s32 v3, v5;
	v8 =	vshrl.u32 v5, $0x10;
	v6 =	vxor.u32 v6, v4  }
0x92: {  	v8 =	vor.u32 v8, v9;
	v9 =	vshrl.u32 v6, $0x11;
	v10 =	vshll.u32 v6, $0xF  }
0x93: {  	v4 =	vadd.s32 v4, v6;
	v8 =	vxor.u32 v8, v3;
	v5 =	vor.u32 v9, v10  }
0x94: {  	v9 =	vshrl.u32 v8, $0x8;
	v12 =	vshll.u32 v8, $0x18;
	v5 =	vxor.u32 v5, v4  }
0x95: {  	v3 =	vadd.s32 v3, v8;
	v10 =	vshrl.u32 v5, $0x6;
	v11 =	vshll.u32 v5, $0x1A  }
0x96: {  	v8 =	vor.u32 v9, v12;
	v4 =	vadd.s32 v4, v5;
	v5 =	vor.u32 v10, v11  }
0x97: {  	v6 =	vshrl.u32 v7, $0x6;
	v8 =	vxor.u32 v8, v3;
	v5 =	vxor.u32 v5, v4  }
0x98: {  	v8 =	vadd.s32 $0x2, v8;
	v9 =	vshrl.u32 v5, $0x1A;
	v10 =	vshll.u32 v5, $0x6  }
0x99: {  	v3 =	vadd.s32 v8, v3;
	v4 =	vadd.s32 v4, v5;
	v5 =	vor.u32 v9, v10  }
0x9a: {  	v3 =	vadd.s32 $0x1BD11BF0, v3;
	v9 =	vshll.u32 v7, $0x1A;
	v5 =	vxor.u32 v5, v4  }
0x9b: {  	v10 =	vshrl.u32 v8, $0x13;
	v8 =	vshll.u32 v8, $0xD;
	v5 =	vadd.s32 $0x2D, v5  }
0x9c: {  	v8 =	vor.u32 v10, v8;
	v11 =	vshrl.u32 v5, $0xF;
	v12 =	vshll.u32 v5, $0x11  }
0x9d: {  	v6 =	vor.u32 v6, v9;
	v4 =	vadd.s32 v4, v5;
	v5 =	vor.u32 v11, v12  }
0x9e: {  	v8 =	vxor.u32 v8, v3;
	v6 =	vxor.u32 v6, v2;
	v5 =	vxor.u32 v5, v4  }
0x9f: {  	v9 =	vshrl.u32 v8, $0x11;
	v10 =	vshrl.u32 v5, $0x3;
	v11 =	vshll.u32 v5, $0x1D  }
0xa0: {  	v12 =	vshll.u32 v8, $0xF;
	v4 =	vadd.s32 v4, v5;
	v5 =	vor.u32 v10, v11  }
0xa1: {  	v3 =	vadd.s32 v3, v8;
	v9 =	vor.u32 v9, v12;
	v5 =	vxor.u32 v5, v4  }
0xa2: {  	v8 =	vxor.u32 v9, v3;
	v9 =	vshrl.u32 v5, $0x10;
	v10 =	vshll.u32 v5, $0x10  }
0xa3: {  	v11 =	vshrl.u32 v8, $0x6;
	v4 =	vadd.s32 v4, v5;
	v5 =	vor.u32 v9, v10  }
0xa4: {  	v3 =	vadd.s32 v3, v8;
	v9 =	vshll.u32 v8, $0x1A;
	v5 =	vxor.u32 v5, v4  }
0xa5: {  	v8 =	vor.u32 v11, v9;
	v9 =	vshrl.u32 v5, $0x8;
	v10 =	vshll.u32 v5, $0x18  }
0xa6: {  	v8 =	vxor.u32 v8, v3;
	v4 =	vadd.s32 v4, v5;
	v5 =	vor.u32 v9, v10  }
0xa7: {  	v9 =	vshrl.u32 v8, $0x1A;
	v10 =	vshll.u32 v8, $0x6;
	v5 =	vxor.u32 v5, v4  }
0xa8: {  	v3 =	vadd.s32 v3, v8;
	v8 =	vor.u32 v9, v10;
	v5 =	vadd.s32 $0x1BD11BF4, v5  }
0xa9: {  	v8 =	vxor.u32 v8, v3;
	v4 =	vadd.s32 v5, v4;
	v9 =	vshrl.u32 v5, $0x13  }
0xaa: {  	v5 =	vshll.u32 v5, $0xD;
	v7 =	vadd.s32 $0x2D, v8;
	v4 =	vadd.s32 $0x2A, v4  }
0xab: {  	v5 =	vor.u32 v9, v5;
	v8 =	vshrl.u32 v7, $0xF;
	v11 =	vshll.u32 v7, $0x11  }
0xac: {  	v3 =	vadd.s32 v3, v7;
	v5 =	vxor.u32 v5, v4;
	v7 =	vor.u32 v8, v11  }
0xad: {  	v9 =	vshrl.u32 v5, $0x11;
	v10 =	vshll.u32 v5, $0xF;
	v7 =	vxor.u32 v7, v3  }
0xae: {  	s21 =	simm.s32 $0x40;
	v4 =	vadd.s32 v4, v5;
	v5 =	vor.u32 v9, v10;
	v10 =	vshrl.u32 v7, $0x3  }
0xaf: {  	s26 =	sand.u32 $0x3E0, s21;
	s28 =	sand.u32 $0xFFFFFC00, s30;
	v3 =	vadd.s32 v3, v7;
	v7 =	vshll.u32 v7, $0x1D;
	v5 =	vxor.u32 v5, v4  }
0xb0: {  	s19 =	sor.u32 s26, s28;
	s29 =	sor.u32 $0x10, s26;
	v2 =	vadd.s32 v2, v6;
	v7 =	vor.u32 v10, v7;
	v8 =	vshrl.u32 v5, $0x6  }
0xb1: {  	s28 =	sor.u32 s28, s29;
	s31 =	sand.u32 $0x3FFFFC00, s7;
	s7 =	sor.u32 s16, s19;
	v9 =	vshll.u32 v5, $0x1A;
	v4 =	vadd.s32 v4, v5;
	v7 =	vxor.u32 v7, v3  }
0xb2: {  	s0 =	sadd.s32 $0x800, s31;
	v5 =	vor.u32 v8, v9;
	v8 =	vadd.s32 s7, v0;
	s7 =	sor.u32 s16, s28;
	v13 =	vshrl.u32 v7, $0x10  }
0xb3: {  	v14 =	vshll.u32 v7, $0x10;
	v5 =	vxor.u32 v5, v4;
	v11 =	vadd.s32 s7, v0;
	s7 =	sor.u32 s2, s0  }
0xb4: {  	v3 =	vadd.s32 v3, v7;
	v9 =	vshrl.u32 v5, $0x1A;
	v10 =	vshll.u32 v5, $0x6;
	v12 =	vld [tilespmem:s7+$0x0]  }
0xb5: {  	v13 =	vor.u32 v13, v14;
	v4 =	vadd.s32 v4, v5;
	v5 =	vor.u32 v9, v10;
	v10 =	vld [tilespmem:s22+$0x0]  }
0xb6: {  	v7 =	vxor.u32 v13, v3;
	v9 =	vshrl.u32 v6, $0x1A;
	v5 =	vxor.u32 v5, v4  }
0xb7: {  	v13 =	vshll.u32 v7, $0x18;
	v4 =	vadd.s32 $0x1BD11BF0, v4;
	v5 =	vadd.s32 $0x5, v5  }
0xb8: {  	v3 =	vadd.s32 v3, v7;
	v4 =	vxor.u32 v4, v5;
	v5 =	vshll.u32 v6, $0x6  }
0xb9: {  	s31 =	sadd.s32 $0x400, s31;
	vm0 =	vlt.u32 v4, $0xCCCCE00;
	v5 =	vor.u32 v9, v5;
	v9 =	vshrl.u32 v7, $0x8  }
0xba: {  	s2 =	sor.u32 s2, s31;
	v10 =	vsel vm0, v10, v12;
	v7 =	vor.u32 v9, v13;
	vm0 =	vlt.u32 v4, $0x19999A00  }
0xbb: {  	v14 =	vld [tilespmem:s2+$0x0];
	v5 =	vxor.u32 v5, v2;
	v2 =	vadd.s32 $0x1BD11BF0, v2;
	v9 =	vshll.u32 v11, $0xD  }
0xbc: {  	v4 =	vxor.u32 v7, v3;
	v5 =	vadd.s32 $0x5, v5;
	v7 =	vshrl.u32 v11, $0x13  }
0xbd: {  	v4 =	vadd.s32 $0x1BD11BF4, v4;
	v2 =	vxor.u32 v2, v5;
	v5 =	vshrl.u32 v8, $0x13  }
0xbe: {  	v7 =	vor.u32 v7, v9;
	v3 =	vadd.s32 v4, v3;
	v6 =	vshrl.u32 v4, $0x13  }
0xbf: {  	v4 =	vshll.u32 v4, $0xD;
	vm1 =	vlt.u32 v2, $0xCCCCE00;
	v7 =	vxor.u32 v11, v7  }
0xc0: {  	v3 =	vadd.s32 $0x2A, v3;
	v4 =	vor.u32 v6, v4;
	v6 =	vsel vm0, v10, v14  }
0xc1: {  	vm0 =	vlt.u32 v2, $0x19999A00;
	v10 =	vshll.u32 v8, $0xD;
	v4 =	vxor.u32 v4, v3  }
0xc2: {  	v5 =	vor.u32 v5, v10;
	v2 =	vshrl.u32 v4, $0x11;
	v9 =	vshll.u32 v4, $0xF  }
0xc3: {  	v10 =	vshll.u32 v7, $0xF;
	v5 =	vxor.u32 v8, v5;
	v2 =	vor.u32 v2, v9  }
0xc4: {  	v9 =	vshrl.u32 v7, $0x11;
	v12 =	vshrl.u32 v5, $0x11;
	v7 =	vadd.s32 v11, v7  }
0xc5: {  	v8 =	vadd.s32 v8, v5;
	v5 =	vshll.u32 v5, $0xF;
	v9 =	vor.u32 v9, v10  }
0xc6: {  	v3 =	vadd.s32 v3, v4;
	v5 =	vor.u32 v12, v5;
	v9 =	vxor.u32 v9, v7  }
0xc7: {  	v5 =	vxor.u32 v5, v8;
	v10 =	vshrl.u32 v9, $0x6;
	v11 =	vshll.u32 v9, $0x1A  }
0xc8: {  	v7 =	vadd.s32 v7, v9;
	v9 =	vor.u32 v10, v11;
	v10 =	vshrl.u32 v5, $0x6  }
0xc9: {  	v11 =	vshll.u32 v5, $0x1A;
	v5 =	vadd.s32 v8, v5;
	v9 =	vxor.u32 v9, v7  }
0xca: {  	v10 =	vor.u32 v10, v11;
	v11 =	vshrl.u32 v9, $0x1A;
	v12 =	vshll.u32 v9, $0x6  }
0xcb: {  	v7 =	vadd.s32 v7, v9;
	v9 =	vxor.u32 v10, v5;
	v8 =	vor.u32 v11, v12  }
0xcc: {  	v4 =	vshrl.u32 v9, $0x1A;
	v10 =	vshll.u32 v9, $0x6;
	v8 =	vxor.u32 v8, v7  }
0xcd: {  	v5 =	vadd.s32 v5, v9;
	v4 =	vor.u32 v4, v10;
	v8 =	vadd.s32 $0x1BD11BF1, v8  }
0xce: {  	v7 =	vadd.s32 v8, v7;
	v11 =	vshrl.u32 v8, $0xF;
	v8 =	vshll.u32 v8, $0x11  }
0xcf: {  	v4 =	vxor.u32 v4, v5;
	v7 =	vadd.s32 $0x2A, v7;
	v8 =	vor.u32 v11, v8  }
0xd0: {  	v2 =	vxor.u32 v2, v3;
	v4 =	vadd.s32 $0x1BD11BF1, v4;
	v8 =	vxor.u32 v8, v7  }
0xd1: {  	v5 =	vadd.s32 v4, v5;
	v9 =	vshrl.u32 v8, $0x3;
	v10 =	vshll.u32 v8, $0x1D  }
0xd2: {  	v5 =	vadd.s32 $0x2A, v5;
	v7 =	vadd.s32 v7, v8;
	v8 =	vor.u32 v9, v10  }
0xd3: {  	v9 =	vshrl.u32 v4, $0xF;
	v4 =	vshll.u32 v4, $0x11;
	v8 =	vxor.u32 v8, v7  }
0xd4: {  	v4 =	vor.u32 v9, v4;
	v10 =	vshrl.u32 v8, $0x10;
	v11 =	vshll.u32 v8, $0x10  }
0xd5: {  	v7 =	vadd.s32 v7, v8;
	v4 =	vxor.u32 v4, v5;
	v8 =	vor.u32 v10, v11  }
0xd6: {  	v12 =	vshrl.u32 v4, $0x3;
	v5 =	vadd.s32 v5, v4;
	v8 =	vxor.u32 v8, v7  }
0xd7: {  	v4 =	vshll.u32 v4, $0x1D;
	v10 =	vshrl.u32 v8, $0x8;
	v11 =	vshll.u32 v8, $0x18  }
0xd8: {  	v4 =	vor.u32 v12, v4;
	v7 =	vadd.s32 v7, v8;
	v8 =	vor.u32 v10, v11  }
0xd9: {  	v9 =	vshrl.u32 v2, $0x6;
	v4 =	vxor.u32 v4, v5;
	v8 =	vxor.u32 v8, v7  }
0xda: {  	v10 =	vshll.u32 v2, $0x1A;
	v12 =	vshll.u32 v4, $0x10;
	v8 =	vadd.s32 $0x2, v8  }
0xdb: {  	v7 =	vadd.s32 v8, v7;
	v11 =	vshrl.u32 v8, $0x13;
	v8 =	vshll.u32 v8, $0xD  }
0xdc: {  	v9 =	vor.u32 v9, v10;
	v7 =	vadd.s32 $0x1BD11BF0, v7;
	v8 =	vor.u32 v11, v8  }
0xdd: {  	v11 =	vshrl.u32 v4, $0x10;
	v4 =	vadd.s32 v5, v4;
	v8 =	vxor.u32 v8, v7  }
0xde: {  	v11 =	vor.u32 v11, v12;
	v12 =	vshrl.u32 v8, $0x11;
	v13 =	vshll.u32 v8, $0xF  }
0xdf: {  	v5 =	vadd.s32 v7, v8;
	v8 =	vxor.u32 v11, v4;
	v7 =	vor.u32 v12, v13  }
0xe0: {  	v10 =	vshrl.u32 v8, $0x8;
	v13 =	vshll.u32 v8, $0x18;
	v7 =	vxor.u32 v7, v5  }
0xe1: {  	v4 =	vadd.s32 v4, v8;
	v11 =	vshrl.u32 v7, $0x6;
	v12 =	vshll.u32 v7, $0x1A  }
0xe2: {  	v8 =	vor.u32 v10, v13;
	v5 =	vadd.s32 v5, v7;
	v7 =	vor.u32 v11, v12  }
0xe3: {  	v8 =	vxor.u32 v8, v4;
	v7 =	vxor.u32 v7, v5  }
0xe4: {  	v8 =	vadd.s32 $0x2, v8;
	v10 =	vshrl.u32 v7, $0x1A;
	v11 =	vshll.u32 v7, $0x6  }
0xe5: {  	v4 =	vadd.s32 v8, v4;
	v5 =	vadd.s32 v5, v7;
	v7 =	vor.u32 v10, v11  }
0xe6: {  	v4 =	vadd.s32 $0x1BD11BF0, v4;
	v7 =	vxor.u32 v7, v5  }
0xe7: {  	v10 =	vshrl.u32 v8, $0x13;
	v8 =	vshll.u32 v8, $0xD;
	v7 =	vadd.s32 $0x2D, v7  }
0xe8: {  	v8 =	vor.u32 v10, v8;
	v10 =	vshrl.u32 v7, $0xF;
	v11 =	vshll.u32 v7, $0x11  }
0xe9: {  	v8 =	vxor.u32 v8, v4;
	v5 =	vadd.s32 v5, v7;
	v7 =	vor.u32 v10, v11  }
0xea: {  	v10 =	vshrl.u32 v8, $0x11;
	v11 =	vshll.u32 v8, $0xF;
	v7 =	vxor.u32 v7, v5  }
0xeb: {  	v10 =	vor.u32 v10, v11;
	v11 =	vshrl.u32 v7, $0x3;
	v12 =	vshll.u32 v7, $0x1D  }
0xec: {  	v4 =	vadd.s32 v4, v8;
	v5 =	vadd.s32 v5, v7;
	v7 =	vor.u32 v11, v12  }
0xed: {  	v8 =	vxor.u32 v10, v4;
	v12 =	vadd.s32 v3, v2;
	v7 =	vxor.u32 v7, v5  }
0xee: {  	v2 =	vshrl.u32 v8, $0x6;
	v3 =	vshrl.u32 v7, $0x10;
	v10 =	vshll.u32 v7, $0x10  }
0xef: {  	v11 =	vshll.u32 v8, $0x1A;
	v5 =	vadd.s32 v5, v7;
	v3 =	vor.u32 v3, v10  }
0xf0: {  	v4 =	vadd.s32 v4, v8;
	v2 =	vor.u32 v2, v11;
	v3 =	vxor.u32 v3, v5  }
0xf1: {  	v2 =	vxor.u32 v2, v4;
	v7 =	vshrl.u32 v3, $0x8;
	v8 =	vshll.u32 v3, $0x18  }
0xf2: {  	v10 =	vshrl.u32 v2, $0x1A;
	v3 =	vadd.s32 v5, v3;
	v5 =	vor.u32 v7, v8  }
0xf3: {  	v4 =	vadd.s32 v4, v2;
	v2 =	vshll.u32 v2, $0x6;
	v5 =	vxor.u32 v5, v3  }
0xf4: {  	v2 =	vor.u32 v10, v2;
	v5 =	vadd.s32 $0x1BD11BF4, v5  }
0xf5: {  	v3 =	vadd.s32 v5, v3;
	v8 =	vshrl.u32 v5, $0x13;
	v5 =	vshll.u32 v5, $0xD  }
0xf6: {  	v2 =	vxor.u32 v2, v4;
	v3 =	vadd.s32 $0x2A, v3;
	v5 =	vor.u32 v8, v5  }
0xf7: {  	v7 =	vxor.u32 v9, v12;
	v2 =	vadd.s32 $0x2D, v2;
	v5 =	vxor.u32 v5, v3  }
0xf8: {  	v9 =	vshrl.u32 v2, $0xF;
	v10 =	vshrl.u32 v5, $0x11;
	v11 =	vshll.u32 v5, $0xF  }
0xf9: {  	v13 =	vshll.u32 v2, $0x11;
	v5 =	vadd.s32 v3, v5;
	v3 =	vor.u32 v10, v11  }
0xfa: {  	v18 =	vld [tilespmem:s15+$0x0];
	v4 =	vadd.s32 v4, v2;
	v2 =	vor.u32 v9, v13;
	v9 =	vxor.u32 v3, v5  }
0xfb: {  	[tilespmem:s18+$0x8800] =	vst v1;
	v1 =	vld [tilespmem:s19+$0x0];
	v10 =	vxor.u32 v2, v4;
	v2 =	vshrl.u32 v9, $0x6;
	v11 =	vshll.u32 v9, $0x1A  }
0xfc: {  	v16 =	vld [tilespmem:s28+$0x0];
	s7 =	sor.u32 s20, s24;
	s24 =	sor.u32 s20, s25;
	s25 =	sand.u32 $0x3FFFFC00, s30;
	v13 =	vshrl.u32 v10, $0x3;
	v5 =	vadd.s32 v5, v9;
	v9 =	vor.u32 v2, v11  }
0xfd: {  	s20 =	sadd.s32 $0x800, s25;
	v14 =	vld [tilespmem:s7+$0x0];
	v11 =	vadd.s32 v4, v10;
	v4 =	vshll.u32 v10, $0x1D;
	v9 =	vxor.u32 v9, v5  }
0xfe: {  	s25 =	sadd.s32 $0x400, s25;
	v3 =	vld [tilespmem:s24+$0x0];
	s24 =	sor.u32 s29, s20;
	v4 =	vor.u32 v13, v4;
	v10 =	vshrl.u32 v9, $0x1A;
	v13 =	vshll.u32 v9, $0x6  }
0xff: {  	s2 =	sor.u32 s29, s25;
	v15 =	vld [tilespmem:s24+$0x0];
	v17 =	vxor.u32 v4, v11;
	v4 =	vadd.s32 v5, v9;
	v5 =	vor.u32 v10, v13  }
0x100: {  	s0 =	sor.u32 s23, s0;
	v13 =	vld [tilespmem:s2+$0x0];
	v9 =	vshrl.u32 v17, $0x10;
	v10 =	vshll.u32 v17, $0x10;
	v5 =	vxor.u32 v5, v4  }
0x101: {  	v2 =	vld [tilespmem:s0+$0x0];
	v9 =	vor.u32 v9, v10;
	v10 =	vadd.s32 $0x1BD11BF0, v4;
	v5 =	vadd.s32 $0x5, v5  }
0x102: {  	v8 =	vshrl.u32 v7, $0x1A;
	s29 =	sor.u32 s23, s31;
	s31 =	sor.u32 s26, s20;
	v11 =	vadd.s32 v11, v17;
	v4 =	vld [tilespmem:s17+$0x0];
	v63 =	vxor.u32 v10, v5  }
0x103: {  	v19 =	vxor.u32 v9, v11;
	v9 =	vld [tilespmem:s31+$0x0];
	v10 =	vshll.u32 v7, $0x6;
	vm2 =	vlt.u32 v63, $0xCCCCE00  }
0x104: {  	s0 =	sor.u32 s26, s25;
	v5 =	vld [tilespmem:s29+$0x0];
	v10 =	vor.u32 v8, v10;
	v8 =	vsel vm2, v16, v15;
	vm2 =	vlt.u32 v63, $0x19999A00  }
0x105: {  	v15 =	vsel vm2, v8, v13;
	v8 =	vld [tilespmem:s0+$0x0]  }
0x106: {  	[tilespmem:s22+$0x8800] =	vst v6;
	v12 =	vadd.s32 v12, v7;
	v20 =	vshrl.u32 v19, $0x8;
	v6 =	vshll.u32 v19, $0x18  }
0x107: {  	s18 =	simm.s32 $0x4;
	v11 =	vadd.s32 v11, v19;
	v7 =	vsel vm1, v18, v14;
	v13 =	vor.u32 v20, v6;
	[tilespmem:s28+$0x8800] =	vst v15  }
.LBB2_8:
0x108: {  	s18 =	sadd.s32 $0x2, s18;
	v13 =	vxor.u32 v13, v11;
	s21 =	sadd.s32 $0x20, s21;
	v10 =	vxor.u32 v10, v12;
	v12 =	vadd.s32 $0x1BD11BF0, v12;
	v6 =	vmovc v4;
	v4 =	vmovc v1  }
0x109: {  	s22 =	sand.u32 $0x3E0, s21;
	s24 =	sshll.u32 s18, $0x4;
	p0 =	slt.u32 s18, $0x7FE;
	v1 =	vadd.s32 $0x1BD11BF4, v13;
	v10 =	vadd.s32 $0x5, v10;
	v13 =	vsel vm0, v7, v3;
	v7 =	vmovc v2;
	v2 =	vmovc v9  }
0x10a: {  	v3 =	vmovc v5;
	v5 =	vmovc v8;
	s0 =	sand.u32 $0xFFFFFC00, s24;
	s23 =	sor.u32 $0x10, s22;
	v9 =	vadd.s32 v1, v11;
	v11 =	vshrl.u32 v1, $0x13;
	v1 =	vshll.u32 v1, $0xD;
	[tilespmem:s15+$0x8800] =	vst v13;
	s15 =	smov.u32 s17  }
0x10b: {  	v10 =	vxor.u32 v12, v10;
	s17 =	smov.u32 s19;
	s20 =	sor.u32 s0, s23;
	v8 =	vadd.s32 $0x2A, v9;
	v9 =	vor.u32 v11, v1;
	s19 =	sor.u32 s22, s0  }
0x10c: {  	vm1 =	vlt.u32 v10, $0xCCCCE00;
	vm0 =	vlt.u32 v10, $0x19999A00;
	s0 =	sor.u32 s16, s19;
	v1 =	vld [tilespmem:s19+$0x0];
	s2 =	sor.u32 s16, s20;
	v9 =	vxor.u32 v9, v8  }
0x10d: {  	v10 =	vadd.s32 s0, v0;
	v11 =	vadd.s32 s2, v0;
	v12 =	vshrl.u32 v9, $0x11  }
0x10e: {  	v13 =	vshrl.u32 v10, $0x13;
	v14 =	vshrl.u32 v11, $0x13;
	v15 =	vshll.u32 v11, $0xD  }
0x10f: {  	v16 =	vshll.u32 v10, $0xD;
	v14 =	vor.u32 v14, v15;
	v15 =	vshll.u32 v9, $0xF  }
0x110: {  	v13 =	vor.u32 v13, v16;
	v14 =	vxor.u32 v11, v14;
	v12 =	vor.u32 v12, v15  }
0x111: {  	v13 =	vxor.u32 v10, v13;
	v15 =	vshrl.u32 v14, $0x11;
	v16 =	vshll.u32 v14, $0xF  }
0x112: {  	v17 =	vshrl.u32 v13, $0x11;
	v11 =	vadd.s32 v11, v14;
	v14 =	vor.u32 v15, v16  }
0x113: {  	v10 =	vadd.s32 v10, v13;
	v13 =	vshll.u32 v13, $0xF;
	v14 =	vxor.u32 v14, v11  }
0x114: {  	v13 =	vor.u32 v17, v13;
	v15 =	vshrl.u32 v14, $0x6;
	v16 =	vshll.u32 v14, $0x1A  }
0x115: {  	v13 =	vxor.u32 v13, v10;
	v11 =	vadd.s32 v11, v14;
	v14 =	vor.u32 v15, v16  }
0x116: {  	v15 =	vshrl.u32 v13, $0x6;
	v16 =	vshll.u32 v13, $0x1A;
	v14 =	vxor.u32 v14, v11  }
0x117: {  	v15 =	vor.u32 v15, v16;
	v16 =	vshrl.u32 v14, $0x1A;
	v17 =	vshll.u32 v14, $0x6  }
0x118: {  	v10 =	vadd.s32 v10, v13;
	v11 =	vadd.s32 v11, v14;
	v13 =	vor.u32 v16, v17  }
0x119: {  	v8 =	vadd.s32 v8, v9;
	v14 =	vxor.u32 v15, v10;
	v13 =	vxor.u32 v13, v11  }
0x11a: {  	v9 =	vshrl.u32 v14, $0x1A;
	v15 =	vshll.u32 v14, $0x6;
	v13 =	vadd.s32 $0x1BD11BF1, v13  }
0x11b: {  	v11 =	vadd.s32 v13, v11;
	v16 =	vshrl.u32 v13, $0xF;
	v13 =	vshll.u32 v13, $0x11  }
0x11c: {  	v9 =	vor.u32 v9, v15;
	v11 =	vadd.s32 $0x2A, v11;
	v13 =	vor.u32 v16, v13  }
0x11d: {  	v12 =	vxor.u32 v12, v8;
	v10 =	vadd.s32 v10, v14;
	v13 =	vxor.u32 v13, v11  }
0x11e: {  	v9 =	vxor.u32 v9, v10;
	v14 =	vshrl.u32 v13, $0x3;
	v15 =	vshll.u32 v13, $0x1D  }
0x11f: {  	v9 =	vadd.s32 $0x1BD11BF1, v9;
	v11 =	vadd.s32 v11, v13;
	v13 =	vor.u32 v14, v15  }
0x120: {  	v10 =	vadd.s32 v9, v10;
	v14 =	vshrl.u32 v9, $0xF;
	v13 =	vxor.u32 v13, v11  }
0x121: {  	v9 =	vshll.u32 v9, $0x11;
	v15 =	vshrl.u32 v13, $0x10;
	v16 =	vshll.u32 v13, $0x10  }
0x122: {  	v10 =	vadd.s32 $0x2A, v10;
	v11 =	vadd.s32 v11, v13;
	v13 =	vor.u32 v15, v16  }
0x123: {  	v9 =	vor.u32 v14, v9;
	v14 =	vshrl.u32 v12, $0x6;
	v13 =	vxor.u32 v13, v11  }
0x124: {  	v9 =	vxor.u32 v9, v10;
	v15 =	vshrl.u32 v13, $0x8;
	v16 =	vshll.u32 v13, $0x18  }
0x125: {  	v17 =	vshrl.u32 v9, $0x3;
	v11 =	vadd.s32 v11, v13;
	v13 =	vor.u32 v15, v16  }
0x126: {  	v10 =	vadd.s32 v10, v9;
	v9 =	vshll.u32 v9, $0x1D;
	v13 =	vxor.u32 v13, v11  }
0x127: {  	v9 =	vor.u32 v17, v9;
	v15 =	vshll.u32 v12, $0x1A;
	v13 =	vadd.s32 $0x2, v13  }
0x128: {  	v11 =	vadd.s32 v13, v11;
	v16 =	vshrl.u32 v13, $0x13;
	v13 =	vshll.u32 v13, $0xD  }
0x129: {  	v9 =	vxor.u32 v9, v10;
	v11 =	vadd.s32 $0x1BD11BF0, v11;
	v13 =	vor.u32 v16, v13  }
0x12a: {  	v17 =	vshll.u32 v9, $0x10;
	v16 =	vshrl.u32 v9, $0x10;
	v13 =	vxor.u32 v13, v11  }
0x12b: {  	v16 =	vor.u32 v16, v17;
	v17 =	vshrl.u32 v13, $0x11;
	v18 =	vshll.u32 v13, $0xF  }
0x12c: {  	v9 =	vadd.s32 v10, v9;
	v10 =	vadd.s32 v11, v13;
	v11 =	vor.u32 v17, v18  }
0x12d: {  	v14 =	vor.u32 v14, v15;
	v13 =	vxor.u32 v16, v9;
	v11 =	vxor.u32 v11, v10  }
0x12e: {  	v15 =	vshrl.u32 v13, $0x8;
	v16 =	vshrl.u32 v11, $0x6;
	v17 =	vshll.u32 v11, $0x1A  }
0x12f: {  	v18 =	vshll.u32 v13, $0x18;
	v10 =	vadd.s32 v10, v11;
	v11 =	vor.u32 v16, v17  }
0x130: {  	v9 =	vadd.s32 v9, v13;
	v13 =	vor.u32 v15, v18;
	v11 =	vxor.u32 v11, v10  }
0x131: {  	v13 =	vxor.u32 v13, v9;
	v15 =	vshrl.u32 v11, $0x1A;
	v16 =	vshll.u32 v11, $0x6  }
0x132: {  	v13 =	vadd.s32 $0x2, v13;
	v10 =	vadd.s32 v10, v11;
	v11 =	vor.u32 v15, v16  }
0x133: {  	v9 =	vadd.s32 v13, v9;
	v15 =	vshrl.u32 v13, $0x13;
	v11 =	vxor.u32 v11, v10  }
0x134: {  	v9 =	vadd.s32 $0x1BD11BF0, v9;
	v13 =	vshll.u32 v13, $0xD;
	v11 =	vadd.s32 $0x2D, v11  }
0x135: {  	v13 =	vor.u32 v15, v13;
	v15 =	vshrl.u32 v11, $0xF;
	v16 =	vshll.u32 v11, $0x11  }
0x136: {  	v13 =	vxor.u32 v13, v9;
	v10 =	vadd.s32 v10, v11;
	v11 =	vor.u32 v15, v16  }
0x137: {  	v15 =	vshrl.u32 v13, $0x11;
	v16 =	vshll.u32 v13, $0xF;
	v11 =	vxor.u32 v11, v10  }
0x138: {  	v15 =	vor.u32 v15, v16;
	v16 =	vshrl.u32 v11, $0x3;
	v17 =	vshll.u32 v11, $0x1D  }
0x139: {  	v9 =	vadd.s32 v9, v13;
	v10 =	vadd.s32 v10, v11;
	v11 =	vor.u32 v16, v17  }
0x13a: {  	v12 =	vadd.s32 v8, v12;
	v13 =	vxor.u32 v15, v9;
	v11 =	vxor.u32 v11, v10  }
0x13b: {  	v8 =	vshrl.u32 v13, $0x6;
	v15 =	vshrl.u32 v11, $0x10;
	v16 =	vshll.u32 v11, $0x10  }
0x13c: {  	v17 =	vshll.u32 v13, $0x1A;
	v10 =	vadd.s32 v10, v11;
	v11 =	vor.u32 v15, v16  }
0x13d: {  	v9 =	vadd.s32 v9, v13;
	v8 =	vor.u32 v8, v17;
	v11 =	vxor.u32 v11, v10  }
0x13e: {  	v8 =	vxor.u32 v8, v9;
	v13 =	vshrl.u32 v11, $0x8;
	v15 =	vshll.u32 v11, $0x18  }
0x13f: {  	v16 =	vshrl.u32 v8, $0x1A;
	v10 =	vadd.s32 v10, v11;
	v11 =	vor.u32 v13, v15  }
0x140: {  	v9 =	vadd.s32 v9, v8;
	v8 =	vshll.u32 v8, $0x6;
	v11 =	vxor.u32 v11, v10  }
0x141: {  	v14 =	vxor.u32 v14, v12;
	v8 =	vor.u32 v16, v8;
	v11 =	vadd.s32 $0x1BD11BF4, v11  }
0x142: {  	v10 =	vadd.s32 v11, v10;
	v13 =	vshrl.u32 v11, $0x13;
	v11 =	vshll.u32 v11, $0xD  }
0x143: {  	v8 =	vxor.u32 v8, v9;
	v10 =	vadd.s32 $0x2A, v10;
	v11 =	vor.u32 v13, v11  }
0x144: {  	v8 =	vadd.s32 $0x2D, v8;
	v13 =	vshrl.u32 v14, $0x1A;
	v11 =	vxor.u32 v11, v10  }
0x145: {  	v15 =	vshrl.u32 v8, $0xF;
	v16 =	vshrl.u32 v11, $0x11;
	v17 =	vshll.u32 v11, $0xF  }
0x146: {  	v18 =	vshll.u32 v8, $0x11;
	v10 =	vadd.s32 v10, v11;
	v11 =	vor.u32 v16, v17  }
0x147: {  	v8 =	vadd.s32 v9, v8;
	v9 =	vor.u32 v15, v18;
	v11 =	vxor.u32 v11, v10  }
0x148: {  	v9 =	vxor.u32 v9, v8;
	v15 =	vshrl.u32 v11, $0x6;
	v16 =	vshll.u32 v11, $0x1A  }
0x149: {  	s0 =	sand.u32 $0x3FFFFC00, s24;
	v17 =	vshrl.u32 v9, $0x3;
	v10 =	vadd.s32 v10, v11;
	v11 =	vor.u32 v15, v16  }
0x14a: {  	s2 =	sadd.s32 $0x800, s0;
	v8 =	vadd.s32 v8, v9;
	v9 =	vshll.u32 v9, $0x1D;
	v11 =	vxor.u32 v11, v10  }
0x14b: {  	s0 =	sadd.s32 $0x400, s0;
	s7 =	sor.u32 s22, s2;
	s2 =	sor.u32 s23, s2;
	v9 =	vor.u32 v17, v9;
	v15 =	vshrl.u32 v11, $0x1A;
	v16 =	vshll.u32 v11, $0x6;
	v17 =	vld [tilespmem:s20+$0x0]  }
0x14c: {  	s22 =	sor.u32 s22, s0;
	s0 =	sor.u32 s23, s0;
	v18 =	vxor.u32 v9, v8;
	v10 =	vadd.s32 v10, v11;
	v9 =	vor.u32 v15, v16;
	v11 =	vld [tilespmem:s2+$0x0]  }
0x14d: {  	v15 =	vshrl.u32 v18, $0x10;
	v16 =	vshll.u32 v18, $0x10;
	v19 =	vxor.u32 v9, v10;
	v20 =	vld [tilespmem:s0+$0x0]  }
0x14e: {  	v15 =	vor.u32 v15, v16;
	v10 =	vadd.s32 $0x1BD11BF0, v10;
	v9 =	vld [tilespmem:s7+$0x0];
	v16 =	vadd.s32 $0x5, v19  }
.Ltmp3:
0x14f: {  	v18 =	vadd.s32 v8, v18;
	v8 =	vld [tilespmem:s22+$0x0];
	v16 =	vxor.u32 v10, v16;
	v10 =	vshll.u32 v14, $0x6;
	(pc) =	sbr.rel @p0 .LBB2_8-.Ltmp3, $4  }
0x150: {  	v15 =	vxor.u32 v15, v18;
	vm2 =	vlt.u32 v16, $0xCCCCE00;
	v10 =	vor.u32 v13, v10  }
0x151: {  	v13 =	vshrl.u32 v15, $0x8;
	v17 =	vsel vm2, v17, v11;
	vm2 =	vlt.u32 v16, $0x19999A00  }
0x152: {  	v11 =	vadd.s32 v18, v15;
	v15 =	vshll.u32 v15, $0x18;
	v16 =	vsel vm2, v17, v20  }
0x153: {  	v7 =	vsel vm1, v6, v7;
	v12 =	vadd.s32 v12, v14;
	v13 =	vor.u32 v13, v15;
	[tilespmem:s20+$0x8800] =	vst v16  }
0x154: {  	v6 =	vxor.u32 v13, v11  }
0x155: {  	v6 =	vadd.s32 $0x1BD11BF4, v6  }
0x156: {  	v56 =	vadd.s32 v6, v11;
	v57 =	vshrl.u32 v6, $0x13;
	v6 =	vshll.u32 v6, $0xD  }
0x157: {  	v11 =	vadd.s32 $0x2A, v56;
	v6 =	vor.u32 v57, v6  }
0x158: {  	v6 =	vxor.u32 v6, v11  }
0x159: {  	v58 =	vshrl.u32 v6, $0x11;
	v14 =	vshll.u32 v6, $0xF  }
0x15a: {  	v6 =	vadd.s32 v11, v6;
	v13 =	vor.u32 v58, v14  }
0x15b: {  	v11 =	vxor.u32 v13, v6  }
0x15c: {  	v13 =	vshrl.u32 v11, $0x6;
	v59 =	vshll.u32 v11, $0x1A  }
0x15d: {  	v6 =	vadd.s32 v6, v11;
	v13 =	vor.u32 v13, v59  }
0x15e: {  	v11 =	vxor.u32 v13, v6  }
0x15f: {  	v13 =	vshrl.u32 v11, $0x1A;
	v60 =	vshll.u32 v11, $0x6  }
0x160: {  	v10 =	vxor.u32 v10, v12;
	v6 =	vadd.s32 v6, v11;
	v13 =	vor.u32 v13, v60  }
0x161: {  	v61 =	vadd.s32 $0x1BD11BF0, v12;
	v10 =	vadd.s32 $0x5, v10;
	v62 =	vxor.u32 v13, v6  }
0x162: {  	v10 =	vxor.u32 v61, v10;
	v6 =	vadd.s32 $0x1BD11BF0, v6;
	v63 =	vadd.s32 $0x5, v62  }
0x163: {  	v3 =	vsel vm0, v7, v3;
	vm13 =	vlt.u32 v10, $0xCCCCE00;
	v6 =	vxor.u32 v6, v63  }
0x164: {  	vm1 =	vlt.u32 v10, $0x19999A00;
	v2 =	vsel vm13, v4, v2;
	vm14 =	vlt.u32 v6, $0xCCCCE00  }
0x165: {  	s13 =	sadd.s32 $0x1, s13;
	[tilespmem:s15+$0x8800] =	vst v3;
	v2 =	vsel vm1, v2, v5;
	vm15 =	vlt.u32 v6, $0x19999A00;
	v1 =	vsel vm14, v1, v9  }
0x166: {  	s0 =	sshll.u32 s14, $0x7;
	p0 =	sne.s32 s13, $0x4;
	[tilespmem:s17+$0x8800] =	vst v2;
	v1 =	vsel vm15, v1, v8  }
.Ltmp4:
0x167: {  	s0 =	sadd.s32 s4, s0;
	[tilespmem:s19+$0x8800] =	vst v1;
	(pc) =	sbr.rel @p0 .LBB2_2-.Ltmp4, $4  }
0x168: {  	[hbm4b:s0+s1] =	stream.linear.scatter [tilespmem:s10], [sflag:$0x1], $0x8000, $0x38;
	[tilespmem:$0x10800] =	vst v63  }
0x169: {  	_ =	swait.ge [sflag:s9], $0x8000  }
0x16a: {  	[sflag:s9] =	ssyncset.done $0x0  }
0x16b: {  	[sflag:s9] =	ssyncadd.s32 $0xFFFF8000  }
0x16c: {  	s12 =	sadd.s32 $0x1, s12;
	s0 =	rddreg [dreg:$0x2]  }
0x16d: {  	p0 =	sne.s32 s12, s0  }
.Ltmp5:
0x16e: {  	_ = 	snop;
	(pc) =	sbr.rel @p0 .LBB2_1-.Ltmp5, $1  }
0x16f: {  	_ =	sdelay $0x3  }
0x170: {  	_ =	sfence.sel $0x180000  }
0x171: {  	[bflag:$0x0] =	sbarrier.arrive $0xFFFF  }
0x172: {  	_ =	strace $0x90000047  }
0x173: {  	s0 =	stileid.u32;
	[bflag:$0x2] =	sbarrier.arrive $0xFFFF  }
0x174: {  	p0 =	sne.s32 s0, $0x0;
	s0 =	rddreg [dreg:$0x1]  }
0x175: {  	s0 =	sadd.s32 @!p0 $0x100000, s0  }
0x176: {  	[sflag:s0] =	ssyncadd.tile.s32 @!p0 $0x1;
	_ =	shalt  }
.Lfunc_end2:
_tile_overlayer_lowered:
.L_overlay_start_2:
0x177: {  	(tag) =	ssettag $0x2  }
0x178: {  	s0 =	rddreg [dreg:$0x0];
	s2 =	stileid.u32  }
0x179: {  	s1 =	rddreg [dreg:$0x1];
	p0 =	sne.s32 s2, $0x0  }
0x17a: {  	s3 =	rddreg [dreg:$0x2];
	[bflag:$0x3] =	sbarrier.arrive $0xFFFF;
	s2 =	simm.s32 @!p0 $0x1C01  }
0x17b: {  	[timem:s3], [sflag:s2] =	dma.local @!p0 [hbm:s0], s1  }
0x17c: {  	s0 =	simm.s32 @!p0 $0x1  }
0x17d: {  	_ =	swait.ge @!p0 [sflag:s0], s1  }
0x17e: {  	s1 =	ssub.s32 @!p0 $0x0, s1;
	[sflag:s0] =	ssyncset.done @!p0 $0x0  }
0x17f: {  	[sflag:s0] =	ssyncadd.s32 @!p0 s1  }
0x180: {  	[bflag:$0x3] =	sbarrier.arrive $0xFFFF  }
0x181: {  	_ =	shalt  }

</sc_bundles>
